<compile_context>
chip_gen: v7x
topology: tpu7x:2x2x1
jax: 0.10.2.dev20260603
libtpu: 0.0.44.dev20260713+nightly
codegen_flags: <defaults>
</compile_context>

<pallas_src>
import functools

import jax
import jax.numpy as jnp
from jax import lax
from jax.experimental import pallas as pl
from jax.experimental.pallas import tpu as pltpu
from jax.experimental.pallas import tpu_sc as plsc

B = 64
L_IN = 1536
D_TISSUE = 64
D_TOKEN = 32
HIDDEN = 1024
H2 = HIDDEN // 2
K_SEQ = L_IN * D_TOKEN
VOCAB = 65

D_PAIR = 2 * D_TOKEN
NPAIR = B * L_IN // 2

NC = 2
NS = 16
NW = NC * NS
PPW = NPAIR // NW

KB = 2048
NK = K_SEQ // KB

_SQRT_HALF = 0.7071067811865476


def _gelu(x):
    return 0.5 * x * (1.0 + lax.erf(x * _SQRT_HALF))


def _sc_gather(pair_table, rna2d, tissue_table, tissue_id):
    mesh = plsc.VectorSubcoreMesh(core_axis_name="c", subcore_axis_name="s")
    ppos = 2 * PPW // B

    @functools.partial(
        pl.kernel,
        out_type=(
            jax.ShapeDtypeStruct((NPAIR, D_PAIR), jnp.float32),
            jax.ShapeDtypeStruct((B, D_TISSUE), jnp.float32),
        ),
        mesh=mesh,
        scratch_types=(
            pltpu.VMEM((B, ppos), jnp.int32),
            pltpu.VMEM((PPW,), jnp.int32),
            pltpu.VMEM((PPW, D_PAIR), jnp.float32),
            pltpu.VMEM((B,), jnp.int32),
            pltpu.VMEM((B, D_TISSUE), jnp.float32),
            pltpu.SemaphoreType.DMA,
        ),
        compiler_params=pltpu.CompilerParams(use_tc_tiling_on_sc=False,
                                             needs_layout_passes=False),
    )
    def body(ptab_hbm, tok_hbm, ttab_hbm, tid_hbm, x_hbm, te_hbm,
             tokv, idxv, rowsv, tidv, trowsv, sem):
        wid = lax.axis_index("s") * NC + lax.axis_index("c")
        lane = lax.iota(jnp.int32, 16)
        pltpu.sync_copy(tok_hbm.at[:, pl.ds(ppos * wid, ppos)], tokv)

        def chunk(c, carry):
            bv = 8 * (c % 8) + lane // 2
            pv = 4 * (c // 8) + 2 * (lane % 2)
            ev = plsc.load_gather(tokv, [bv, pv])
            ov = plsc.load_gather(tokv, [bv, pv + 1])
            idxv[pl.ds(c * 16, 16)] = ev * VOCAB + ov
            return carry

        lax.fori_loop(0, PPW // 16, chunk, 0)
        pltpu.async_copy(ptab_hbm.at[idxv], rowsv, sem).wait()
        pltpu.sync_copy(rowsv, x_hbm.at[pl.ds(wid * PPW, PPW)])

        @pl.when(wid == 0)
        def _():
            pltpu.sync_copy(tid_hbm, tidv)
            pltpu.async_copy(ttab_hbm.at[tidv], trowsv, sem).wait()
            pltpu.sync_copy(trowsv, te_hbm)

    return body(pair_table, rna2d, tissue_table, tissue_id)


def _mlp(x2d, te, b1r, W2, b2r, W3, b3r, W1):

    def body(x_ref, te_ref, b1_ref, w2_ref, b2_ref, w3_ref, b3_ref, w1_hbm,
             y_ref, w1buf, w1t, acc, sems, semt):
        k = pl.program_id(0)

        def w1_copy(kk, slot):
            return pltpu.make_async_copy(
                w1_hbm.at[pl.ds(D_TISSUE + kk * KB, KB), :],
                w1buf.at[slot], sems.at[slot])

        @pl.when(k == 0)
        def _():
            pltpu.make_async_copy(w1_hbm.at[pl.ds(0, D_TISSUE), :], w1t, semt).start()
            w1_copy(0, 0).start()

        @pl.when(k + 1 < NK)
        def _():
            w1_copy(k + 1, (k + 1) % 2).start()

        @pl.when(k == 0)
        def _():
            pltpu.make_async_copy(w1_hbm.at[pl.ds(0, D_TISSUE), :], w1t, semt).wait()
            acc[...] = (
                jnp.dot(te_ref[...], w1t[...], preferred_element_type=jnp.float32)
                + b1_ref[...])

        w1_copy(k, k % 2).wait()
        part = jnp.dot(x_ref[0], w1buf[k % 2, pl.ds(0, 128), :],
                       preferred_element_type=jnp.float32)
        for qq in range(1, KB // 128):
            part += jnp.dot(x_ref[qq], w1buf[k % 2, pl.ds(128 * qq, 128), :],
                            preferred_element_type=jnp.float32)
        acc[...] += part

        @pl.when(k == NK - 1)
        def _():
            h = _gelu(acc[...])
            h2 = _gelu(jnp.dot(h, w2_ref[...], preferred_element_type=jnp.float32)
                       + b2_ref[...])
            y_ref[...] = (
                jnp.dot(h2, w3_ref[...], preferred_element_type=jnp.float32)
                + b3_ref[...])

    return pl.pallas_call(
        body,
        grid=(NK,),
        in_specs=[
            pl.BlockSpec((KB // 128, B, 128), lambda k: (k, 0, 0)),
            pl.BlockSpec((B, D_TISSUE), lambda k: (0, 0)),
            pl.BlockSpec((HIDDEN,), lambda k: (0,)),
            pl.BlockSpec((HIDDEN, H2), lambda k: (0, 0)),
            pl.BlockSpec((H2,), lambda k: (0,)),
            pl.BlockSpec((H2, 1), lambda k: (0, 0)),
            pl.BlockSpec((1,), lambda k: (0,)),
            pl.BlockSpec(memory_space=pl.ANY),
        ],
        out_specs=pl.BlockSpec((B, 1), lambda k: (0, 0)),
        out_shape=jax.ShapeDtypeStruct((B, 1), jnp.float32),
        scratch_shapes=[
            pltpu.VMEM((2, KB, HIDDEN), jnp.float32),
            pltpu.VMEM((D_TISSUE, HIDDEN), jnp.float32),
            pltpu.VMEM((B, HIDDEN), jnp.float32),
            pltpu.SemaphoreType.DMA((2,)),
            pltpu.SemaphoreType.DMA,
        ],
        compiler_params=pltpu.CompilerParams(
            dimension_semantics=("arbitrary",)),
    )(x2d, te, b1r, W2, b2r, W3, b3r, W1)


def kernel(rna_data, tissue_id, tissue_table, seq_table, W1, b1, W2, b2, W3, b3):
    pair_table = jnp.concatenate(
        [jnp.broadcast_to(seq_table[:, None, :], (VOCAB, VOCAB, D_TOKEN)),
         jnp.broadcast_to(seq_table[None, :, :], (VOCAB, VOCAB, D_TOKEN))],
        axis=2).reshape(VOCAB * VOCAB, D_PAIR)
    x3, te = _sc_gather(pair_table, rna_data, tissue_table, tissue_id)
    x6 = x3.reshape(K_SEQ // 128, B, 128)
    return _mlp(x6, te, b1, W2, b2, W3, b3, W1)

# --- scband reference (transcript-rebuilt; emitter-appended) ---
"""Pipeline reference for scband-model-baseline-91319594648348 (READ-ONLY COPY).

The authoritative reference and input builder live on the scoring server;
editing this copy changes nothing except your own understanding.
"""

import jax, jax.numpy as jnp
import numpy as np

B = 64
L_IN = 1536
MAX_SEQ = 2048
N_TISSUES = 30
VOCAB = 65  # len(CODON_MAP_DNA)+1, padding_idx=0
D_TISSUE = 64
D_TOKEN = 32
HIDDEN = 1024


def setup_inputs(seed: int = 0) -> dict:
    key = jax.random.key(seed)
    ks = jax.random.split(key, 10)
    rna_data = jax.random.randint(ks[0], (B, L_IN), 0, VOCAB, dtype=jnp.int32)
    tissue_id = jax.random.randint(ks[1], (B,), 0, N_TISSUES, dtype=jnp.int32)
    tissue_table = jax.random.normal(ks[2], (N_TISSUES, D_TISSUE), dtype=jnp.float32) * 0.02
    seq_table = jax.random.normal(ks[3], (VOCAB, D_TOKEN), dtype=jnp.float32) * 0.02
    seq_table = seq_table.at[0].set(0.0)  # padding_idx=0
    d_in = D_TISSUE + MAX_SEQ * D_TOKEN
    W1 = jax.random.normal(ks[4], (d_in, HIDDEN), dtype=jnp.float32) * (1.0 / np.sqrt(d_in))
    b1 = jnp.zeros((HIDDEN,), dtype=jnp.float32)
    W2 = jax.random.normal(ks[5], (HIDDEN, HIDDEN // 2), dtype=jnp.float32) * (1.0 / np.sqrt(HIDDEN))
    b2 = jnp.zeros((HIDDEN // 2,), dtype=jnp.float32)
    W3 = jax.random.normal(ks[6], (HIDDEN // 2, 1), dtype=jnp.float32) * (1.0 / np.sqrt(HIDDEN // 2))
    b3 = jnp.zeros((1,), dtype=jnp.float32)
    return {"rna_data": rna_data, "tissue_id": tissue_id, "tissue_table": tissue_table,
            "seq_table": seq_table, "W1": W1, "b1": b1, "W2": W2, "b2": b2, "W3": W3, "b3": b3}


def reference(rna_data, tissue_id, tissue_table, seq_table, W1, b1, W2, b2, W3, b3):
    # F.pad(rna_data, (0, max_seq_length - L), value=0)
    pad_len = MAX_SEQ - rna_data.shape[1]
    rna_pad = jnp.pad(rna_data, ((0, 0), (0, pad_len)), constant_values=0)
    tissue_emb = jnp.take(tissue_table, tissue_id, axis=0)            # [B, D_TISSUE]
    seq_emb = jnp.take(seq_table, rna_pad, axis=0)                     # [B, MAX_SEQ, D_TOKEN]
    seq_flat = seq_emb.reshape(seq_emb.shape[0], -1)                   # [B, MAX_SEQ*D_TOKEN]
    x = jnp.concatenate([tissue_emb, seq_flat], axis=1)
    h = jax.nn.gelu(x @ W1 + b1, approximate=False)
    # dropout p=0.0 -> identity
    h = jax.nn.gelu(h @ W2 + b2, approximate=False)
    y = h @ W3 + b3                                                    # binary_class=False -> no sigmoid
    return y

if __name__ == "__main__":
    import jax
    _d = setup_inputs()
    print(jax.jit(kernel)(*tuple(_d.values())))

</pallas_src>

<mosaic_0001>
#map = affine_map<(d0, d1) -> (0, 0)>
#map1 = affine_map<(d0, d1) -> (0)>
module attributes {stable_mosaic.version = 14 : i64} {
  func.func @body(%arg0: i32, %arg1: i32, %arg2: memref<4225x64xf32, #tpu.memory_space<hbm>>, %arg3: memref<64x1536xi32, #tpu.memory_space<hbm>>, %arg4: memref<30x64xf32, #tpu.memory_space<hbm>>, %arg5: memref<64xi32, #tpu.memory_space<hbm>>, %arg6: memref<49152x64xf32, #tpu.memory_space<hbm>>, %arg7: memref<64x64xf32, #tpu.memory_space<hbm>>, %arg8: memref<64x48xi32, #tpu.memory_space<vmem>>, %arg9: memref<1536xi32, #tpu.memory_space<vmem>>, %arg10: memref<1536x64xf32, #tpu.memory_space<vmem>>, %arg11: memref<64xi32, #tpu.memory_space<vmem>>, %arg12: memref<64x64xf32, #tpu.memory_space<vmem>>, %arg13: memref<!tpu.dma_semaphore, #tpu.memory_space<semaphore_mem>>) attributes {dimension_semantics = [#tpu.dimension_semantics<core_parallel>, #tpu.dimension_semantics<subcore_parallel>], iteration_bounds = array<i64: 2, 16>, scalar_prefetch = 0 : i64, scratch_operands = 6 : i64, tpu.core_type = #tpu.core_type<sc_vector_subcore>, window_params = [{transform_indices = #map}, {transform_indices = #map}, {transform_indices = #map}, {transform_indices = #map1}, {transform_indices = #map}, {transform_indices = #map}]} {
    %mul3A = arith.constant 2 : i32
    %mul3A_0 = arith.muli %arg1, %mul3A : i32
    %add3A = arith.addi %mul3A_0, %arg0 : i32
    %iota3A = tpu.iota {dimensions = array<i32: 0>} : vector<16xi32>
    %mul3A_1 = arith.constant 48 : i32
    %mul3A_2 = arith.muli %mul3A_1, %add3A : i32
    "tpu.region"() ({
      %run_scoped3A = tpu.sem_alloc : memref<!tpu.dma_semaphore, #tpu.memory_space<semaphore_mem>>
      %dma_start3A_16 = arith.constant 0 : i32
      %dma_start3A_17 = tpu.memref_slice %arg3[%dma_start3A_16, %mul3A_2] : memref<64x1536xi32, #tpu.memory_space<hbm>> -> memref<64x48xi32, #tpu.memory_space<hbm>>
      %dma_start3A_18 = arith.constant 0 : i32
      %dma_start3A_19 = tpu.memref_slice %arg3[%dma_start3A_18, %mul3A_2] : memref<64x1536xi32, #tpu.memory_space<hbm>> -> memref<64x48xi32, #tpu.memory_space<hbm>>
      tpu.enqueue_dma source(%dma_start3A_19 : memref<64x48xi32, #tpu.memory_space<hbm>>) target(%arg8 : memref<64x48xi32, #tpu.memory_space<vmem>>) target_semaphore(%run_scoped3A : memref<!tpu.dma_semaphore, #tpu.memory_space<semaphore_mem>>)
      %dma_wait3A_20 = arith.constant 0 : i32
      %dma_wait3A_21 = tpu.memref_slice %arg3[%dma_wait3A_20, %mul3A_2] : memref<64x1536xi32, #tpu.memory_space<hbm>> -> memref<64x48xi32, #tpu.memory_space<hbm>>
      %dma_wait3A_22 = arith.constant 0 : i32
      %dma_wait3A_23 = tpu.memref_slice %arg3[%dma_wait3A_22, %mul3A_2] : memref<64x1536xi32, #tpu.memory_space<hbm>> -> memref<64x48xi32, #tpu.memory_space<hbm>>
      tpu.wait_dma2 semaphore(%run_scoped3A : memref<!tpu.dma_semaphore, #tpu.memory_space<semaphore_mem>>) src(%dma_wait3A_23 : memref<64x48xi32, #tpu.memory_space<hbm>>) dst(%arg8 : memref<64x48xi32, #tpu.memory_space<vmem>>)
      tpu.yield
    }) : () -> ()
    %scan3A = arith.constant 0 : i32
    %scan3A_3 = arith.constant 0 : i32
    %scan3A_4 = arith.constant 96 : i32
    %scan3A_5 = arith.addi %scan3A_3, %scan3A_4 : i32
    %scan3A_6 = arith.constant 1 : i32
    scf.for %scan3A_16 = %scan3A_3 to %scan3A_5 step %scan3A_6  : i32 {
      %jit3A = arith.constant 8 : i32
      %eq3A_17 = arith.constant 0 : i32
      %eq3A_18 = arith.cmpi eq, %jit3A, %eq3A_17 : i32
      %jit3A_19 = arith.constant 1 : i32
      %select_n3A = arith.select %eq3A_18, %jit3A_19, %jit3A : i32
      %rem3A = arith.remsi %scan3A_16, %select_n3A : i32
      %ne3A = arith.constant 0 : i32
      %ne3A_20 = arith.cmpi ne, %rem3A, %ne3A : i32
      %lt3A = arith.constant 0 : i32
      %lt3A_21 = arith.cmpi slt, %rem3A, %lt3A : i32
      %lt3A_22 = arith.constant 0 : i32
      %lt3A_23 = arith.cmpi slt, %select_n3A, %lt3A_22 : i32
      %ne3A_24 = arith.xori %lt3A_21, %lt3A_23 : i1
      %and3A = arith.andi %ne3A_24, %ne3A_20 : i1
      %add3A_25 = arith.addi %rem3A, %select_n3A : i32
      %select_n3A_26 = arith.select %and3A, %add3A_25, %rem3A : i32
      %mul3A_27 = arith.constant 8 : i32
      %mul3A_28 = arith.muli %mul3A_27, %select_n3A_26 : i32
      %jit3A_29 = arith.constant 2 : i32
      %div3A = vector.broadcast %jit3A_29 : i32 to vector<16xi32>
      %div3A_30 = arith.divsi %iota3A, %div3A : vector<16xi32>
      %sign3A = arith.constant 0 : i32
      %sign3A_31 = vector.broadcast %sign3A : i32 to vector<16xi32>
      %sign3A_32 = arith.cmpi sgt, %iota3A, %sign3A_31 : vector<16xi32>
      %sign3A_33 = arith.extui %sign3A_32 : vector<16xi1> to vector<16xi32>
      %sign3A_34 = arith.constant 0 : i32
      %sign3A_35 = vector.broadcast %sign3A_34 : i32 to vector<16xi32>
      %sign3A_36 = arith.cmpi slt, %iota3A, %sign3A_35 : vector<16xi32>
      %sign3A_37 = arith.extui %sign3A_36 : vector<16xi1> to vector<16xi32>
      %sign3A_38 = arith.subi %sign3A_33, %sign3A_37 : vector<16xi32>
      %sign3A_39 = arith.constant 0 : i32
      %sign3A_40 = arith.cmpi sgt, %jit3A_29, %sign3A_39 : i32
      %sign3A_41 = arith.extui %sign3A_40 : i1 to i32
      %sign3A_42 = arith.constant 0 : i32
      %sign3A_43 = arith.cmpi slt, %jit3A_29, %sign3A_42 : i32
      %sign3A_44 = arith.extui %sign3A_43 : i1 to i32
      %sign3A_45 = arith.subi %sign3A_41, %sign3A_44 : i32
      %ne3A_46 = vector.broadcast %sign3A_45 : i32 to vector<16xi32>
      %ne3A_47 = arith.cmpi ne, %sign3A_38, %ne3A_46 : vector<16xi32>
      %rem3A_48 = vector.broadcast %jit3A_29 : i32 to vector<16xi32>
      %rem3A_49 = arith.remsi %iota3A, %rem3A_48 : vector<16xi32>
      %ne3A_50 = arith.constant 0 : i32
      %ne3A_51 = vector.broadcast %ne3A_50 : i32 to vector<16xi32>
      %ne3A_52 = arith.cmpi ne, %rem3A_49, %ne3A_51 : vector<16xi32>
      %and3A_53 = arith.andi %ne3A_47, %ne3A_52 : vector<16xi1>
      %sub3A = arith.constant 1 : i32
      %sub3A_54 = vector.broadcast %sub3A : i32 to vector<16xi32>
      %sub3A_55 = arith.subi %div3A_30, %sub3A_54 : vector<16xi32>
      %select_n3A_56 = arith.select %and3A_53, %sub3A_55, %div3A_30 : vector<16xi1>, vector<16xi32>
      %add3A_57 = vector.broadcast %mul3A_28 : i32 to vector<16xi32>
      %add3A_58 = arith.addi %add3A_57, %select_n3A_56 : vector<16xi32>
      %jit3A_59 = arith.constant 8 : i32
      %div3A_60 = arith.divsi %scan3A_16, %jit3A_59 : i32
      %sign3A_61 = arith.constant 0 : i32
      %sign3A_62 = arith.cmpi sgt, %scan3A_16, %sign3A_61 : i32
      %sign3A_63 = arith.extui %sign3A_62 : i1 to i32
      %sign3A_64 = arith.constant 0 : i32
      %sign3A_65 = arith.cmpi slt, %scan3A_16, %sign3A_64 : i32
      %sign3A_66 = arith.extui %sign3A_65 : i1 to i32
      %sign3A_67 = arith.subi %sign3A_63, %sign3A_66 : i32
      %sign3A_68 = arith.constant 0 : i32
      %sign3A_69 = arith.cmpi sgt, %jit3A_59, %sign3A_68 : i32
      %sign3A_70 = arith.extui %sign3A_69 : i1 to i32
      %sign3A_71 = arith.constant 0 : i32
      %sign3A_72 = arith.cmpi slt, %jit3A_59, %sign3A_71 : i32
      %sign3A_73 = arith.extui %sign3A_72 : i1 to i32
      %sign3A_74 = arith.subi %sign3A_70, %sign3A_73 : i32
      %ne3A_75 = arith.cmpi ne, %sign3A_67, %sign3A_74 : i32
      %rem3A_76 = arith.remsi %scan3A_16, %jit3A_59 : i32
      %ne3A_77 = arith.constant 0 : i32
      %ne3A_78 = arith.cmpi ne, %rem3A_76, %ne3A_77 : i32
      %and3A_79 = arith.andi %ne3A_75, %ne3A_78 : i1
      %sub3A_80 = arith.constant 1 : i32
      %sub3A_81 = arith.subi %div3A_60, %sub3A_80 : i32
      %select_n3A_82 = arith.select %and3A_79, %sub3A_81, %div3A_60 : i32
      %mul3A_83 = arith.constant 4 : i32
      %mul3A_84 = arith.muli %mul3A_83, %select_n3A_82 : i32
      %jit3A_85 = arith.constant 2 : i32
      %eq3A_86 = arith.constant 0 : i32
      %eq3A_87 = arith.cmpi eq, %jit3A_85, %eq3A_86 : i32
      %jit3A_88 = arith.constant 1 : i32
      %select_n3A_89 = arith.select %eq3A_87, %jit3A_88, %jit3A_85 : i32
      %rem3A_90 = vector.broadcast %select_n3A_89 : i32 to vector<16xi32>
      %rem3A_91 = arith.remsi %iota3A, %rem3A_90 : vector<16xi32>
      %ne3A_92 = arith.constant 0 : i32
      %ne3A_93 = vector.broadcast %ne3A_92 : i32 to vector<16xi32>
      %ne3A_94 = arith.cmpi ne, %rem3A_91, %ne3A_93 : vector<16xi32>
      %lt3A_95 = arith.constant 0 : i32
      %lt3A_96 = vector.broadcast %lt3A_95 : i32 to vector<16xi32>
      %lt3A_97 = arith.cmpi slt, %rem3A_91, %lt3A_96 : vector<16xi32>
      %lt3A_98 = arith.constant 0 : i32
      %lt3A_99 = arith.cmpi slt, %select_n3A_89, %lt3A_98 : i32
      %ne3A_100 = vector.broadcast %lt3A_99 : i1 to vector<16xi1>
      %ne3A_101 = vector.broadcast %ne3A_100 : vector<16xi1> to vector<16xi1>
      %ne3A_102 = arith.xori %lt3A_97, %ne3A_101 : vector<16xi1>
      %and3A_103 = arith.andi %ne3A_102, %ne3A_94 : vector<16xi1>
      %add3A_104 = vector.broadcast %select_n3A_89 : i32 to vector<16xi32>
      %add3A_105 = arith.addi %rem3A_91, %add3A_104 : vector<16xi32>
      %select_n3A_106 = arith.select %and3A_103, %add3A_105, %rem3A_91 : vector<16xi1>, vector<16xi32>
      %mul3A_107 = arith.constant 2 : i32
      %mul3A_108 = vector.broadcast %mul3A_107 : i32 to vector<16xi32>
      %mul3A_109 = arith.muli %mul3A_108, %select_n3A_106 : vector<16xi32>
      %add3A_110 = vector.broadcast %mul3A_84 : i32 to vector<16xi32>
      %add3A_111 = arith.addi %add3A_110, %mul3A_109 : vector<16xi32>
      %gather3A = tpu.vector_load_idx %arg8[%add3A_58, %add3A_111] : memref<64x48xi32, #tpu.memory_space<vmem>>[vector<16xi32>, vector<16xi32>], vector<16xi32>,
      %add3A_112 = arith.constant 1 : i32
      %add3A_113 = vector.broadcast %add3A_112 : i32 to vector<16xi32>
      %add3A_114 = arith.addi %add3A_111, %add3A_113 : vector<16xi32>
      %gather3A_115 = tpu.vector_load_idx %arg8[%add3A_58, %add3A_114] : memref<64x48xi32, #tpu.memory_space<vmem>>[vector<16xi32>, vector<16xi32>], vector<16xi32>,
      %mul3A_116 = arith.constant 65 : i32
      %mul3A_117 = vector.broadcast %mul3A_116 : i32 to vector<16xi32>
      %mul3A_118 = arith.muli %gather3A, %mul3A_117 : vector<16xi32>
      %add3A_119 = arith.addi %mul3A_118, %gather3A_115 : vector<16xi32>
      %mul3A_120 = arith.constant 16 : i32
      %mul3A_121 = arith.muli %scan3A_16, %mul3A_120 : i32
      %swap3A = arith.index_cast %mul3A_121 : i32 to index
      %swap3A_122 = tpu.vector_load %arg9[%swap3A] {strides = array<i32>} : memref<1536xi32, #tpu.memory_space<vmem>>, vector<16xi32>,
      tpu.vector_store %arg9[%swap3A], %add3A_119 {strides = array<i32>} : memref<1536xi32, #tpu.memory_space<vmem>>, vector<16xi32>,
    }
    %scan3A_7 = arith.constant 96 : i32
    %dma_start3A = arith.constant 0 : i32
    %dma_start3A_8 = arith.constant 0 : i32
    %dma_start3A_9 = tpu.memref_slice %arg2[%dma_start3A, %dma_start3A_8] : memref<4225x64xf32, #tpu.memory_space<hbm>> -> memref<4225x64xf32, #tpu.memory_space<hbm>>
    tpu.enqueue_indirect_dma source(%dma_start3A_9 : memref<4225x64xf32, #tpu.memory_space<hbm>>) target(%arg10 : memref<1536x64xf32, #tpu.memory_space<vmem>>) offsets(%arg9 : memref<1536xi32, #tpu.memory_space<vmem>>) semaphore(%arg13 : memref<!tpu.dma_semaphore, #tpu.memory_space<semaphore_mem>>)
    %dma_wait3A = arith.constant 0 : i32
    %dma_wait3A_10 = arith.constant 0 : i32
    %dma_wait3A_11 = tpu.memref_slice %arg2[%dma_wait3A, %dma_wait3A_10] : memref<4225x64xf32, #tpu.memory_space<hbm>> -> memref<4225x64xf32, #tpu.memory_space<hbm>>
    tpu.wait_indirect_dma semaphore(%arg13 : memref<!tpu.dma_semaphore, #tpu.memory_space<semaphore_mem>>) src(%dma_wait3A_11 : memref<4225x64xf32, #tpu.memory_space<hbm>>) dst(%arg10 : memref<1536x64xf32, #tpu.memory_space<vmem>>)
    %mul3A_12 = arith.constant 1536 : i32
    %mul3A_13 = arith.muli %add3A, %mul3A_12 : i32
    "tpu.region"() ({
      %run_scoped3A = tpu.sem_alloc : memref<!tpu.dma_semaphore, #tpu.memory_space<semaphore_mem>>
      %dma_start3A_16 = arith.constant 0 : i32
      %dma_start3A_17 = tpu.memref_slice %arg6[%mul3A_13, %dma_start3A_16] : memref<49152x64xf32, #tpu.memory_space<hbm>> -> memref<1536x64xf32, #tpu.memory_space<hbm>>
      %dma_start3A_18 = arith.constant 0 : i32
      %dma_start3A_19 = tpu.memref_slice %arg6[%mul3A_13, %dma_start3A_18] : memref<49152x64xf32, #tpu.memory_space<hbm>> -> memref<1536x64xf32, #tpu.memory_space<hbm>>
      tpu.enqueue_dma source(%arg10 : memref<1536x64xf32, #tpu.memory_space<vmem>>) target(%dma_start3A_19 : memref<1536x64xf32, #tpu.memory_space<hbm>>) target_semaphore(%run_scoped3A : memref<!tpu.dma_semaphore, #tpu.memory_space<semaphore_mem>>)
      %dma_wait3A_20 = arith.constant 0 : i32
      %dma_wait3A_21 = tpu.memref_slice %arg6[%mul3A_13, %dma_wait3A_20] : memref<49152x64xf32, #tpu.memory_space<hbm>> -> memref<1536x64xf32, #tpu.memory_space<hbm>>
      %dma_wait3A_22 = arith.constant 0 : i32
      %dma_wait3A_23 = tpu.memref_slice %arg6[%mul3A_13, %dma_wait3A_22] : memref<49152x64xf32, #tpu.memory_space<hbm>> -> memref<1536x64xf32, #tpu.memory_space<hbm>>
      tpu.wait_dma2 semaphore(%run_scoped3A : memref<!tpu.dma_semaphore, #tpu.memory_space<semaphore_mem>>) src(%arg10 : memref<1536x64xf32, #tpu.memory_space<vmem>>) dst(%dma_wait3A_23 : memref<1536x64xf32, #tpu.memory_space<hbm>>)
      tpu.yield
    }) : () -> ()
    %eq3A = arith.constant 0 : i32
    %eq3A_14 = arith.cmpi eq, %add3A, %eq3A : i32
    %convert_element_type3A = arith.extui %eq3A_14 : i1 to i32
    %cond3A = arith.constant 0 : i32
    %cond3A_15 = arith.cmpi ne, %convert_element_type3A, %cond3A : i32
    scf.if %cond3A_15 {
      "tpu.region"() ({
        %run_scoped3A = tpu.sem_alloc : memref<!tpu.dma_semaphore, #tpu.memory_space<semaphore_mem>>
        tpu.enqueue_dma source(%arg5 : memref<64xi32, #tpu.memory_space<hbm>>) target(%arg11 : memref<64xi32, #tpu.memory_space<vmem>>) target_semaphore(%run_scoped3A : memref<!tpu.dma_semaphore, #tpu.memory_space<semaphore_mem>>)
        tpu.wait_dma2 semaphore(%run_scoped3A : memref<!tpu.dma_semaphore, #tpu.memory_space<semaphore_mem>>) src(%arg5 : memref<64xi32, #tpu.memory_space<hbm>>) dst(%arg11 : memref<64xi32, #tpu.memory_space<vmem>>)
        tpu.yield
      }) : () -> ()
      %dma_start3A_16 = arith.constant 0 : i32
      %dma_start3A_17 = arith.constant 0 : i32
      %dma_start3A_18 = tpu.memref_slice %arg4[%dma_start3A_16, %dma_start3A_17] : memref<30x64xf32, #tpu.memory_space<hbm>> -> memref<30x64xf32, #tpu.memory_space<hbm>>
      tpu.enqueue_indirect_dma source(%dma_start3A_18 : memref<30x64xf32, #tpu.memory_space<hbm>>) target(%arg12 : memref<64x64xf32, #tpu.memory_space<vmem>>) offsets(%arg11 : memref<64xi32, #tpu.memory_space<vmem>>) semaphore(%arg13 : memref<!tpu.dma_semaphore, #tpu.memory_space<semaphore_mem>>)
      %dma_wait3A_19 = arith.constant 0 : i32
      %dma_wait3A_20 = arith.constant 0 : i32
      %dma_wait3A_21 = tpu.memref_slice %arg4[%dma_wait3A_19, %dma_wait3A_20] : memref<30x64xf32, #tpu.memory_space<hbm>> -> memref<30x64xf32, #tpu.memory_space<hbm>>
      tpu.wait_indirect_dma semaphore(%arg13 : memref<!tpu.dma_semaphore, #tpu.memory_space<semaphore_mem>>) src(%dma_wait3A_21 : memref<30x64xf32, #tpu.memory_space<hbm>>) dst(%arg12 : memref<64x64xf32, #tpu.memory_space<vmem>>)
      "tpu.region"() ({
        %run_scoped3A = tpu.sem_alloc : memref<!tpu.dma_semaphore, #tpu.memory_space<semaphore_mem>>
        tpu.enqueue_dma source(%arg12 : memref<64x64xf32, #tpu.memory_space<vmem>>) target(%arg7 : memref<64x64xf32, #tpu.memory_space<hbm>>) target_semaphore(%run_scoped3A : memref<!tpu.dma_semaphore, #tpu.memory_space<semaphore_mem>>)
        tpu.wait_dma2 semaphore(%run_scoped3A : memref<!tpu.dma_semaphore, #tpu.memory_space<semaphore_mem>>) src(%arg12 : memref<64x64xf32, #tpu.memory_space<vmem>>) dst(%arg7 : memref<64x64xf32, #tpu.memory_space<hbm>>)
        tpu.yield
      }) : () -> ()
    } else {
    }
    return
  }
}

module attributes {stable_mosaic.version = 14 : i64} {
  func.func @body(%arg0: i32, %arg1: memref<16x64x128xf32, #tpu.memory_space<vmem>>, %arg2: memref<64x64xf32, #tpu.memory_space<vmem>>, %arg3: memref<1024xf32, #tpu.memory_space<vmem>>, %arg4: memref<1024x512xf32, #tpu.memory_space<vmem>>, %arg5: memref<512xf32, #tpu.memory_space<vmem>>, %arg6: memref<512x1xf32, #tpu.memory_space<vmem>>, %arg7: memref<1xf32, #tpu.memory_space<vmem>>, %arg8: memref<65600x1024xf32, #tpu.memory_space<any>>, %arg9: memref<64x1xf32, #tpu.memory_space<vmem>>, %arg10: memref<2x2048x1024xf32, #tpu.memory_space<vmem>>, %arg11: memref<64x1024xf32, #tpu.memory_space<vmem>>, %arg12: memref<64x1024xf32, #tpu.memory_space<vmem>>, %arg13: memref<2x!tpu.dma_semaphore, #tpu.memory_space<semaphore_mem>>, %arg14: memref<!tpu.dma_semaphore, #tpu.memory_space<semaphore_mem>>) attributes {dimension_semantics = [#tpu.dimension_semantics<arbitrary>], iteration_bounds = array<i64: 24>, scalar_prefetch = 0 : i64, scratch_operands = 5 : i64, tpu.core_type = #tpu.core_type<tc>, window_params = [{transform_indices = @transform_0, window_bounds = array<i64: 16, 64, 128>}, {pipeline_mode = #tpu.pipeline_mode<synchronous>, transform_indices = @transform_1, window_bounds = array<i64: 64, 64>}, {pipeline_mode = #tpu.pipeline_mode<synchronous>, transform_indices = @transform_2, window_bounds = array<i64: 1024>}, {pipeline_mode = #tpu.pipeline_mode<synchronous>, transform_indices = @transform_3, window_bounds = array<i64: 1024, 512>}, {pipeline_mode = #tpu.pipeline_mode<synchronous>, transform_indices = @transform_4, window_bounds = array<i64: 512>}, {pipeline_mode = #tpu.pipeline_mode<synchronous>, transform_indices = @transform_5, window_bounds = array<i64: 512, 1>}, {pipeline_mode = #tpu.pipeline_mode<synchronous>, transform_indices = @transform_6, window_bounds = array<i64: 1>}, {}, {pipeline_mode = #tpu.pipeline_mode<synchronous>, transform_indices = @transform_8, window_bounds = array<i64: 64, 1>}]} {
    %eq3A = arith.constant 0 : i32
    %eq3A_0 = arith.cmpi eq, %arg0, %eq3A : i32
    %convert_element_type3A = arith.extui %eq3A_0 : i1 to i32
    %cond3A = arith.constant 0 : i32
    %cond3A_1 = arith.cmpi ne, %convert_element_type3A, %cond3A : i32
    scf.if %cond3A_1 {
      %dma_start3A = arith.constant 0 : i32
      %dma_start3A_505 = arith.constant 0 : i32
      %dma_start3A_506 = tpu.memref_slice %arg8[%dma_start3A, %dma_start3A_505] : memref<65600x1024xf32, #tpu.memory_space<any>> -> memref<64x1024xf32, #tpu.memory_space<any>>
      tpu.enqueue_dma source(%dma_start3A_506 : memref<64x1024xf32, #tpu.memory_space<any>>) target(%arg11 : memref<64x1024xf32, #tpu.memory_space<vmem>>) target_semaphore(%arg14 : memref<!tpu.dma_semaphore, #tpu.memory_space<semaphore_mem>>)
      %dma_start3A_507 = arith.constant 0 : i32
      %dma_start3A_508 = arith.constant 0 : i32
      %dma_start3A_509 = tpu.memref_slice %arg13[%dma_start3A_508] : memref<2x!tpu.dma_semaphore, #tpu.memory_space<semaphore_mem>> -> memref<1x!tpu.dma_semaphore, #tpu.memory_space<semaphore_mem>>
      %dma_start3A_510 = tpu.memref_squeeze %dma_start3A_509 : memref<1x!tpu.dma_semaphore, #tpu.memory_space<semaphore_mem>> -> memref<!tpu.dma_semaphore, #tpu.memory_space<semaphore_mem>>
      %dma_start3A_511 = arith.constant 0 : i32
      %dma_start3A_512 = arith.constant 0 : i32
      %dma_start3A_513 = tpu.memref_slice %arg10[%dma_start3A_507, %dma_start3A_511, %dma_start3A_512] : memref<2x2048x1024xf32, #tpu.memory_space<vmem>> -> memref<1x2048x1024xf32, #tpu.memory_space<vmem>>
      %dma_start3A_514 = tpu.memref_squeeze %dma_start3A_513 : memref<1x2048x1024xf32, #tpu.memory_space<vmem>> -> memref<2048x1024xf32, #tpu.memory_space<vmem>>
      %dma_start3A_515 = arith.constant 64 : i32
      %dma_start3A_516 = arith.constant 0 : i32
      %dma_start3A_517 = tpu.memref_slice %arg8[%dma_start3A_515, %dma_start3A_516] : memref<65600x1024xf32, #tpu.memory_space<any>> -> memref<2048x1024xf32, #tpu.memory_space<any>>
      tpu.enqueue_dma source(%dma_start3A_517 : memref<2048x1024xf32, #tpu.memory_space<any>>) target(%dma_start3A_514 : memref<2048x1024xf32, #tpu.memory_space<vmem>>) target_semaphore(%dma_start3A_510 : memref<!tpu.dma_semaphore, #tpu.memory_space<semaphore_mem>>)
    } else {
    }
    %add3A = arith.constant 1 : i32
    %add3A_2 = arith.addi %arg0, %add3A : i32
    %lt3A = arith.constant 24 : i32
    %lt3A_3 = arith.cmpi slt, %add3A_2, %lt3A : i32
    %convert_element_type3A_4 = arith.extui %lt3A_3 : i1 to i32
    %cond3A_5 = arith.constant 0 : i32
    %cond3A_6 = arith.cmpi ne, %convert_element_type3A_4, %cond3A_5 : i32
    scf.if %cond3A_6 {
      %add3A_505 = arith.constant 1 : i32
      %add3A_506 = arith.addi %arg0, %add3A_505 : i32
      %add3A_507 = arith.constant 1 : i32
      %add3A_508 = arith.addi %arg0, %add3A_507 : i32
      %jit3A_509 = arith.constant 2 : i32
      %eq3A_510 = arith.constant 0 : i32
      %eq3A_511 = arith.cmpi eq, %jit3A_509, %eq3A_510 : i32
      %jit3A_512 = arith.constant 1 : i32
      %select_n3A_513 = arith.select %eq3A_511, %jit3A_512, %jit3A_509 : i32
      %rem3A_514 = arith.remsi %add3A_508, %select_n3A_513 : i32
      %ne3A_515 = arith.constant 0 : i32
      %ne3A_516 = arith.cmpi ne, %rem3A_514, %ne3A_515 : i32
      %lt3A_517 = arith.constant 0 : i32
      %lt3A_518 = arith.cmpi slt, %rem3A_514, %lt3A_517 : i32
      %lt3A_519 = arith.constant 0 : i32
      %lt3A_520 = arith.cmpi slt, %select_n3A_513, %lt3A_519 : i32
      %ne3A_521 = arith.xori %lt3A_518, %lt3A_520 : i1
      %and3A_522 = arith.andi %ne3A_521, %ne3A_516 : i1
      %add3A_523 = arith.addi %rem3A_514, %select_n3A_513 : i32
      %select_n3A_524 = arith.select %and3A_522, %add3A_523, %rem3A_514 : i32
      %mul3A_525 = arith.constant 2048 : i32
      %mul3A_526 = arith.muli %add3A_506, %mul3A_525 : i32
      %add3A_527 = arith.constant 64 : i32
      %add3A_528 = arith.addi %add3A_527, %mul3A_526 : i32
      %dma_start3A = tpu.memref_slice %arg13[%select_n3A_524] : memref<2x!tpu.dma_semaphore, #tpu.memory_space<semaphore_mem>> -> memref<1x!tpu.dma_semaphore, #tpu.memory_space<semaphore_mem>>
      %dma_start3A_529 = tpu.memref_squeeze %dma_start3A : memref<1x!tpu.dma_semaphore, #tpu.memory_space<semaphore_mem>> -> memref<!tpu.dma_semaphore, #tpu.memory_space<semaphore_mem>>
      %dma_start3A_530 = arith.constant 0 : i32
      %dma_start3A_531 = arith.constant 0 : i32
      %dma_start3A_532 = tpu.memref_slice %arg10[%select_n3A_524, %dma_start3A_530, %dma_start3A_531] : memref<2x2048x1024xf32, #tpu.memory_space<vmem>> -> memref<1x2048x1024xf32, #tpu.memory_space<vmem>>
      %dma_start3A_533 = tpu.memref_squeeze %dma_start3A_532 : memref<1x2048x1024xf32, #tpu.memory_space<vmem>> -> memref<2048x1024xf32, #tpu.memory_space<vmem>>
      %dma_start3A_534 = arith.constant 0 : i32
      %dma_start3A_535 = tpu.memref_slice %arg8[%add3A_528, %dma_start3A_534] : memref<65600x1024xf32, #tpu.memory_space<any>> -> memref<2048x1024xf32, #tpu.memory_space<any>>
      tpu.enqueue_dma source(%dma_start3A_535 : memref<2048x1024xf32, #tpu.memory_space<any>>) target(%dma_start3A_533 : memref<2048x1024xf32, #tpu.memory_space<vmem>>) target_semaphore(%dma_start3A_529 : memref<!tpu.dma_semaphore, #tpu.memory_space<semaphore_mem>>)
    } else {
    }
    %eq3A_7 = arith.constant 0 : i32
    %eq3A_8 = arith.cmpi eq, %arg0, %eq3A_7 : i32
    %convert_element_type3A_9 = arith.extui %eq3A_8 : i1 to i32
    %cond3A_10 = arith.constant 0 : i32
    %cond3A_11 = arith.cmpi ne, %convert_element_type3A_9, %cond3A_10 : i32
    scf.if %cond3A_11 {
      %dma_wait3A_505 = arith.constant 0 : i32
      %dma_wait3A_506 = arith.constant 0 : i32
      %dma_wait3A_507 = tpu.memref_slice %arg8[%dma_wait3A_505, %dma_wait3A_506] : memref<65600x1024xf32, #tpu.memory_space<any>> -> memref<64x1024xf32, #tpu.memory_space<any>>
      tpu.wait_dma2 semaphore(%arg14 : memref<!tpu.dma_semaphore, #tpu.memory_space<semaphore_mem>>) src(%dma_wait3A_507 : memref<64x1024xf32, #tpu.memory_space<any>>) dst(%arg11 : memref<64x1024xf32, #tpu.memory_space<vmem>>)
      %get3A_508 = arith.constant 0 : index
      %get3A_509 = arith.constant 0 : index
      %get3A_510 = vector.load %arg2[%get3A_508, %get3A_509] : memref<64x64xf32, #tpu.memory_space<vmem>>, vector<64x64xf32>
      %get3A_511 = arith.constant 0 : index
      %get3A_512 = arith.constant 0 : index
      %get3A_513 = vector.load %arg11[%get3A_511, %get3A_512] : memref<64x1024xf32, #tpu.memory_space<vmem>>, vector<64x1024xf32>
      %dot_general3A_514 = arith.constant dense<0.000000e+00> : vector<64x1024xf32>
      %dot_general3A_515 = tpu.matmul %get3A_510, %get3A_513, %dot_general3A_514 {dimension_numbers = #tpu.dot_dimension_numbers<[1], [0], [0], [1], [0, 0, 1, 1], [], []>, transpose_lhs_hint = false} : vector<64x64xf32>, vector<64x1024xf32>, vector<64x1024xf32> -> vector<64x1024xf32>
      %get3A_516 = arith.constant 0 : index
      %get3A_517 = vector.load %arg3[%get3A_516] : memref<1024xf32, #tpu.memory_space<vmem>>, vector<1024xf32>
      %broadcast_in_dim3A = vector.shape_cast %get3A_517 : vector<1024xf32> to vector<1x1024xf32>
      %add3A_518 = vector.broadcast %broadcast_in_dim3A : vector<1x1024xf32> to vector<64x1024xf32>
      %add3A_519 = arith.addf %dot_general3A_515, %add3A_518 : vector<64x1024xf32>
      %swap3A_520 = arith.constant 0 : index
      %swap3A_521 = arith.constant 0 : index
      %swap3A_522 = vector.load %arg12[%swap3A_520, %swap3A_521] : memref<64x1024xf32, #tpu.memory_space<vmem>>, vector<64x1024xf32>
      tpu.vector_store %arg12[%swap3A_520, %swap3A_521], %add3A_519 {strides = array<i32>} : memref<64x1024xf32, #tpu.memory_space<vmem>>, vector<64x1024xf32>,
    } else {
    }
    %jit3A = arith.constant 2 : i32
    %eq3A_12 = arith.constant 0 : i32
    %eq3A_13 = arith.cmpi eq, %jit3A, %eq3A_12 : i32
    %jit3A_14 = arith.constant 1 : i32
    %select_n3A = arith.select %eq3A_13, %jit3A_14, %jit3A : i32
    %rem3A = arith.remsi %arg0, %select_n3A : i32
    %ne3A = arith.constant 0 : i32
    %ne3A_15 = arith.cmpi ne, %rem3A, %ne3A : i32
    %lt3A_16 = arith.constant 0 : i32
    %lt3A_17 = arith.cmpi slt, %rem3A, %lt3A_16 : i32
    %lt3A_18 = arith.constant 0 : i32
    %lt3A_19 = arith.cmpi slt, %select_n3A, %lt3A_18 : i32
    %ne3A_20 = arith.xori %lt3A_17, %lt3A_19 : i1
    %and3A = arith.andi %ne3A_20, %ne3A_15 : i1
    %add3A_21 = arith.addi %rem3A, %select_n3A : i32
    %select_n3A_22 = arith.select %and3A, %add3A_21, %rem3A : i32
    %mul3A = arith.constant 2048 : i32
    %mul3A_23 = arith.muli %arg0, %mul3A : i32
    %add3A_24 = arith.constant 64 : i32
    %add3A_25 = arith.addi %add3A_24, %mul3A_23 : i32
    %dma_wait3A = tpu.memref_slice %arg13[%select_n3A_22] : memref<2x!tpu.dma_semaphore, #tpu.memory_space<semaphore_mem>> -> memref<1x!tpu.dma_semaphore, #tpu.memory_space<semaphore_mem>>
    %dma_wait3A_26 = tpu.memref_squeeze %dma_wait3A : memref<1x!tpu.dma_semaphore, #tpu.memory_space<semaphore_mem>> -> memref<!tpu.dma_semaphore, #tpu.memory_space<semaphore_mem>>
    %dma_wait3A_27 = arith.constant 0 : i32
    %dma_wait3A_28 = arith.constant 0 : i32
    %dma_wait3A_29 = tpu.memref_slice %arg10[%select_n3A_22, %dma_wait3A_27, %dma_wait3A_28] : memref<2x2048x1024xf32, #tpu.memory_space<vmem>> -> memref<1x2048x1024xf32, #tpu.memory_space<vmem>>
    %dma_wait3A_30 = tpu.memref_squeeze %dma_wait3A_29 : memref<1x2048x1024xf32, #tpu.memory_space<vmem>> -> memref<2048x1024xf32, #tpu.memory_space<vmem>>
    %dma_wait3A_31 = arith.constant 0 : i32
    %dma_wait3A_32 = tpu.memref_slice %arg8[%add3A_25, %dma_wait3A_31] : memref<65600x1024xf32, #tpu.memory_space<any>> -> memref<2048x1024xf32, #tpu.memory_space<any>>
    tpu.wait_dma2 semaphore(%dma_wait3A_26 : memref<!tpu.dma_semaphore, #tpu.memory_space<semaphore_mem>>) src(%dma_wait3A_32 : memref<2048x1024xf32, #tpu.memory_space<any>>) dst(%dma_wait3A_30 : memref<2048x1024xf32, #tpu.memory_space<vmem>>)
    %get3A = arith.constant 0 : index
    %get3A_33 = arith.constant 0 : index
    %get3A_34 = arith.constant 0 : index
    %get3A_35 = vector.load %arg1[%get3A, %get3A_33, %get3A_34] : memref<16x64x128xf32, #tpu.memory_space<vmem>>, vector<1x64x128xf32>
    %get3A_36 = vector.shape_cast %get3A_35 : vector<1x64x128xf32> to vector<64x128xf32>
    %jit3A_37 = arith.constant 2 : i32
    %eq3A_38 = arith.constant 0 : i32
    %eq3A_39 = arith.cmpi eq, %jit3A_37, %eq3A_38 : i32
    %jit3A_40 = arith.constant 1 : i32
    %select_n3A_41 = arith.select %eq3A_39, %jit3A_40, %jit3A_37 : i32
    %rem3A_42 = arith.remsi %arg0, %select_n3A_41 : i32
    %ne3A_43 = arith.constant 0 : i32
    %ne3A_44 = arith.cmpi ne, %rem3A_42, %ne3A_43 : i32
    %lt3A_45 = arith.constant 0 : i32
    %lt3A_46 = arith.cmpi slt, %rem3A_42, %lt3A_45 : i32
    %lt3A_47 = arith.constant 0 : i32
    %lt3A_48 = arith.cmpi slt, %select_n3A_41, %lt3A_47 : i32
    %ne3A_49 = arith.xori %lt3A_46, %lt3A_48 : i1
    %and3A_50 = arith.andi %ne3A_49, %ne3A_44 : i1
    %add3A_51 = arith.addi %rem3A_42, %select_n3A_41 : i32
    %select_n3A_52 = arith.select %and3A_50, %add3A_51, %rem3A_42 : i32
    %get3A_53 = arith.index_cast %select_n3A_52 : i32 to index
    %get3A_54 = arith.constant 0 : index
    %get3A_55 = arith.constant 0 : index
    %get3A_56 = vector.load %arg10[%get3A_53, %get3A_54, %get3A_55] : memref<2x2048x1024xf32, #tpu.memory_space<vmem>>, vector<1x128x1024xf32>
    %get3A_57 = vector.shape_cast %get3A_56 : vector<1x128x1024xf32> to vector<128x1024xf32>
    %dot_general3A = arith.constant dense<0.000000e+00> : vector<64x1024xf32>
    %dot_general3A_58 = tpu.matmul %get3A_36, %get3A_57, %dot_general3A {dimension_numbers = #tpu.dot_dimension_numbers<[1], [0], [0], [1], [0, 0, 1, 1], [], []>, transpose_lhs_hint = false} : vector<64x128xf32>, vector<128x1024xf32>, vector<64x1024xf32> -> vector<64x1024xf32>
    %get3A_59 = arith.constant 1 : index
    %get3A_60 = arith.constant 0 : index
    %get3A_61 = arith.constant 0 : index
    %get3A_62 = vector.load %arg1[%get3A_59, %get3A_60, %get3A_61] : memref<16x64x128xf32, #tpu.memory_space<vmem>>, vector<1x64x128xf32>
    %get3A_63 = vector.shape_cast %get3A_62 : vector<1x64x128xf32> to vector<64x128xf32>
    %jit3A_64 = arith.constant 2 : i32
    %eq3A_65 = arith.constant 0 : i32
    %eq3A_66 = arith.cmpi eq, %jit3A_64, %eq3A_65 : i32
    %jit3A_67 = arith.constant 1 : i32
    %select_n3A_68 = arith.select %eq3A_66, %jit3A_67, %jit3A_64 : i32
    %rem3A_69 = arith.remsi %arg0, %select_n3A_68 : i32
    %ne3A_70 = arith.constant 0 : i32
    %ne3A_71 = arith.cmpi ne, %rem3A_69, %ne3A_70 : i32
    %lt3A_72 = arith.constant 0 : i32
    %lt3A_73 = arith.cmpi slt, %rem3A_69, %lt3A_72 : i32
    %lt3A_74 = arith.constant 0 : i32
    %lt3A_75 = arith.cmpi slt, %select_n3A_68, %lt3A_74 : i32
    %ne3A_76 = arith.xori %lt3A_73, %lt3A_75 : i1
    %and3A_77 = arith.andi %ne3A_76, %ne3A_71 : i1
    %add3A_78 = arith.addi %rem3A_69, %select_n3A_68 : i32
    %select_n3A_79 = arith.select %and3A_77, %add3A_78, %rem3A_69 : i32
    %get3A_80 = arith.index_cast %select_n3A_79 : i32 to index
    %get3A_81 = arith.constant 128 : index
    %get3A_82 = arith.constant 0 : index
    %get3A_83 = vector.load %arg10[%get3A_80, %get3A_81, %get3A_82] : memref<2x2048x1024xf32, #tpu.memory_space<vmem>>, vector<1x128x1024xf32>
    %get3A_84 = vector.shape_cast %get3A_83 : vector<1x128x1024xf32> to vector<128x1024xf32>
    %dot_general3A_85 = arith.constant dense<0.000000e+00> : vector<64x1024xf32>
    %dot_general3A_86 = tpu.matmul %get3A_63, %get3A_84, %dot_general3A_85 {dimension_numbers = #tpu.dot_dimension_numbers<[1], [0], [0], [1], [0, 0, 1, 1], [], []>, transpose_lhs_hint = false} : vector<64x128xf32>, vector<128x1024xf32>, vector<64x1024xf32> -> vector<64x1024xf32>
    %add3A_87 = arith.addf %dot_general3A_58, %dot_general3A_86 : vector<64x1024xf32>
    %get3A_88 = arith.constant 2 : index
    %get3A_89 = arith.constant 0 : index
    %get3A_90 = arith.constant 0 : index
    %get3A_91 = vector.load %arg1[%get3A_88, %get3A_89, %get3A_90] : memref<16x64x128xf32, #tpu.memory_space<vmem>>, vector<1x64x128xf32>
    %get3A_92 = vector.shape_cast %get3A_91 : vector<1x64x128xf32> to vector<64x128xf32>
    %jit3A_93 = arith.constant 2 : i32
    %eq3A_94 = arith.constant 0 : i32
    %eq3A_95 = arith.cmpi eq, %jit3A_93, %eq3A_94 : i32
    %jit3A_96 = arith.constant 1 : i32
    %select_n3A_97 = arith.select %eq3A_95, %jit3A_96, %jit3A_93 : i32
    %rem3A_98 = arith.remsi %arg0, %select_n3A_97 : i32
    %ne3A_99 = arith.constant 0 : i32
    %ne3A_100 = arith.cmpi ne, %rem3A_98, %ne3A_99 : i32
    %lt3A_101 = arith.constant 0 : i32
    %lt3A_102 = arith.cmpi slt, %rem3A_98, %lt3A_101 : i32
    %lt3A_103 = arith.constant 0 : i32
    %lt3A_104 = arith.cmpi slt, %select_n3A_97, %lt3A_103 : i32
    %ne3A_105 = arith.xori %lt3A_102, %lt3A_104 : i1
    %and3A_106 = arith.andi %ne3A_105, %ne3A_100 : i1
    %add3A_107 = arith.addi %rem3A_98, %select_n3A_97 : i32
    %select_n3A_108 = arith.select %and3A_106, %add3A_107, %rem3A_98 : i32
    %get3A_109 = arith.index_cast %select_n3A_108 : i32 to index
    %get3A_110 = arith.constant 256 : index
    %get3A_111 = arith.constant 0 : index
    %get3A_112 = vector.load %arg10[%get3A_109, %get3A_110, %get3A_111] : memref<2x2048x1024xf32, #tpu.memory_space<vmem>>, vector<1x128x1024xf32>
    %get3A_113 = vector.shape_cast %get3A_112 : vector<1x128x1024xf32> to vector<128x1024xf32>
    %dot_general3A_114 = arith.constant dense<0.000000e+00> : vector<64x1024xf32>
    %dot_general3A_115 = tpu.matmul %get3A_92, %get3A_113, %dot_general3A_114 {dimension_numbers = #tpu.dot_dimension_numbers<[1], [0], [0], [1], [0, 0, 1, 1], [], []>, transpose_lhs_hint = false} : vector<64x128xf32>, vector<128x1024xf32>, vector<64x1024xf32> -> vector<64x1024xf32>
    %add3A_116 = arith.addf %add3A_87, %dot_general3A_115 : vector<64x1024xf32>
    %get3A_117 = arith.constant 3 : index
    %get3A_118 = arith.constant 0 : index
    %get3A_119 = arith.constant 0 : index
    %get3A_120 = vector.load %arg1[%get3A_117, %get3A_118, %get3A_119] : memref<16x64x128xf32, #tpu.memory_space<vmem>>, vector<1x64x128xf32>
    %get3A_121 = vector.shape_cast %get3A_120 : vector<1x64x128xf32> to vector<64x128xf32>
    %jit3A_122 = arith.constant 2 : i32
    %eq3A_123 = arith.constant 0 : i32
    %eq3A_124 = arith.cmpi eq, %jit3A_122, %eq3A_123 : i32
    %jit3A_125 = arith.constant 1 : i32
    %select_n3A_126 = arith.select %eq3A_124, %jit3A_125, %jit3A_122 : i32
    %rem3A_127 = arith.remsi %arg0, %select_n3A_126 : i32
    %ne3A_128 = arith.constant 0 : i32
    %ne3A_129 = arith.cmpi ne, %rem3A_127, %ne3A_128 : i32
    %lt3A_130 = arith.constant 0 : i32
    %lt3A_131 = arith.cmpi slt, %rem3A_127, %lt3A_130 : i32
    %lt3A_132 = arith.constant 0 : i32
    %lt3A_133 = arith.cmpi slt, %select_n3A_126, %lt3A_132 : i32
    %ne3A_134 = arith.xori %lt3A_131, %lt3A_133 : i1
    %and3A_135 = arith.andi %ne3A_134, %ne3A_129 : i1
    %add3A_136 = arith.addi %rem3A_127, %select_n3A_126 : i32
    %select_n3A_137 = arith.select %and3A_135, %add3A_136, %rem3A_127 : i32
    %get3A_138 = arith.index_cast %select_n3A_137 : i32 to index
    %get3A_139 = arith.constant 384 : index
    %get3A_140 = arith.constant 0 : index
    %get3A_141 = vector.load %arg10[%get3A_138, %get3A_139, %get3A_140] : memref<2x2048x1024xf32, #tpu.memory_space<vmem>>, vector<1x128x1024xf32>
    %get3A_142 = vector.shape_cast %get3A_141 : vector<1x128x1024xf32> to vector<128x1024xf32>
    %dot_general3A_143 = arith.constant dense<0.000000e+00> : vector<64x1024xf32>
    %dot_general3A_144 = tpu.matmul %get3A_121, %get3A_142, %dot_general3A_143 {dimension_numbers = #tpu.dot_dimension_numbers<[1], [0], [0], [1], [0, 0, 1, 1], [], []>, transpose_lhs_hint = false} : vector<64x128xf32>, vector<128x1024xf32>, vector<64x1024xf32> -> vector<64x1024xf32>
    %add3A_145 = arith.addf %add3A_116, %dot_general3A_144 : vector<64x1024xf32>
    %get3A_146 = arith.constant 4 : index
    %get3A_147 = arith.constant 0 : index
    %get3A_148 = arith.constant 0 : index
    %get3A_149 = vector.load %arg1[%get3A_146, %get3A_147, %get3A_148] : memref<16x64x128xf32, #tpu.memory_space<vmem>>, vector<1x64x128xf32>
    %get3A_150 = vector.shape_cast %get3A_149 : vector<1x64x128xf32> to vector<64x128xf32>
    %jit3A_151 = arith.constant 2 : i32
    %eq3A_152 = arith.constant 0 : i32
    %eq3A_153 = arith.cmpi eq, %jit3A_151, %eq3A_152 : i32
    %jit3A_154 = arith.constant 1 : i32
    %select_n3A_155 = arith.select %eq3A_153, %jit3A_154, %jit3A_151 : i32
    %rem3A_156 = arith.remsi %arg0, %select_n3A_155 : i32
    %ne3A_157 = arith.constant 0 : i32
    %ne3A_158 = arith.cmpi ne, %rem3A_156, %ne3A_157 : i32
    %lt3A_159 = arith.constant 0 : i32
    %lt3A_160 = arith.cmpi slt, %rem3A_156, %lt3A_159 : i32
    %lt3A_161 = arith.constant 0 : i32
    %lt3A_162 = arith.cmpi slt, %select_n3A_155, %lt3A_161 : i32
    %ne3A_163 = arith.xori %lt3A_160, %lt3A_162 : i1
    %and3A_164 = arith.andi %ne3A_163, %ne3A_158 : i1
    %add3A_165 = arith.addi %rem3A_156, %select_n3A_155 : i32
    %select_n3A_166 = arith.select %and3A_164, %add3A_165, %rem3A_156 : i32
    %get3A_167 = arith.index_cast %select_n3A_166 : i32 to index
    %get3A_168 = arith.constant 512 : index
    %get3A_169 = arith.constant 0 : index
    %get3A_170 = vector.load %arg10[%get3A_167, %get3A_168, %get3A_169] : memref<2x2048x1024xf32, #tpu.memory_space<vmem>>, vector<1x128x1024xf32>
    %get3A_171 = vector.shape_cast %get3A_170 : vector<1x128x1024xf32> to vector<128x1024xf32>
    %dot_general3A_172 = arith.constant dense<0.000000e+00> : vector<64x1024xf32>
    %dot_general3A_173 = tpu.matmul %get3A_150, %get3A_171, %dot_general3A_172 {dimension_numbers = #tpu.dot_dimension_numbers<[1], [0], [0], [1], [0, 0, 1, 1], [], []>, transpose_lhs_hint = false} : vector<64x128xf32>, vector<128x1024xf32>, vector<64x1024xf32> -> vector<64x1024xf32>
    %add3A_174 = arith.addf %add3A_145, %dot_general3A_173 : vector<64x1024xf32>
    %get3A_175 = arith.constant 5 : index
    %get3A_176 = arith.constant 0 : index
    %get3A_177 = arith.constant 0 : index
    %get3A_178 = vector.load %arg1[%get3A_175, %get3A_176, %get3A_177] : memref<16x64x128xf32, #tpu.memory_space<vmem>>, vector<1x64x128xf32>
    %get3A_179 = vector.shape_cast %get3A_178 : vector<1x64x128xf32> to vector<64x128xf32>
    %jit3A_180 = arith.constant 2 : i32
    %eq3A_181 = arith.constant 0 : i32
    %eq3A_182 = arith.cmpi eq, %jit3A_180, %eq3A_181 : i32
    %jit3A_183 = arith.constant 1 : i32
    %select_n3A_184 = arith.select %eq3A_182, %jit3A_183, %jit3A_180 : i32
    %rem3A_185 = arith.remsi %arg0, %select_n3A_184 : i32
    %ne3A_186 = arith.constant 0 : i32
    %ne3A_187 = arith.cmpi ne, %rem3A_185, %ne3A_186 : i32
    %lt3A_188 = arith.constant 0 : i32
    %lt3A_189 = arith.cmpi slt, %rem3A_185, %lt3A_188 : i32
    %lt3A_190 = arith.constant 0 : i32
    %lt3A_191 = arith.cmpi slt, %select_n3A_184, %lt3A_190 : i32
    %ne3A_192 = arith.xori %lt3A_189, %lt3A_191 : i1
    %and3A_193 = arith.andi %ne3A_192, %ne3A_187 : i1
    %add3A_194 = arith.addi %rem3A_185, %select_n3A_184 : i32
    %select_n3A_195 = arith.select %and3A_193, %add3A_194, %rem3A_185 : i32
    %get3A_196 = arith.index_cast %select_n3A_195 : i32 to index
    %get3A_197 = arith.constant 640 : index
    %get3A_198 = arith.constant 0 : index
    %get3A_199 = vector.load %arg10[%get3A_196, %get3A_197, %get3A_198] : memref<2x2048x1024xf32, #tpu.memory_space<vmem>>, vector<1x128x1024xf32>
    %get3A_200 = vector.shape_cast %get3A_199 : vector<1x128x1024xf32> to vector<128x1024xf32>
    %dot_general3A_201 = arith.constant dense<0.000000e+00> : vector<64x1024xf32>
    %dot_general3A_202 = tpu.matmul %get3A_179, %get3A_200, %dot_general3A_201 {dimension_numbers = #tpu.dot_dimension_numbers<[1], [0], [0], [1], [0, 0, 1, 1], [], []>, transpose_lhs_hint = false} : vector<64x128xf32>, vector<128x1024xf32>, vector<64x1024xf32> -> vector<64x1024xf32>
    %add3A_203 = arith.addf %add3A_174, %dot_general3A_202 : vector<64x1024xf32>
    %get3A_204 = arith.constant 6 : index
    %get3A_205 = arith.constant 0 : index
    %get3A_206 = arith.constant 0 : index
    %get3A_207 = vector.load %arg1[%get3A_204, %get3A_205, %get3A_206] : memref<16x64x128xf32, #tpu.memory_space<vmem>>, vector<1x64x128xf32>
    %get3A_208 = vector.shape_cast %get3A_207 : vector<1x64x128xf32> to vector<64x128xf32>
    %jit3A_209 = arith.constant 2 : i32
    %eq3A_210 = arith.constant 0 : i32
    %eq3A_211 = arith.cmpi eq, %jit3A_209, %eq3A_210 : i32
    %jit3A_212 = arith.constant 1 : i32
    %select_n3A_213 = arith.select %eq3A_211, %jit3A_212, %jit3A_209 : i32
    %rem3A_214 = arith.remsi %arg0, %select_n3A_213 : i32
    %ne3A_215 = arith.constant 0 : i32
    %ne3A_216 = arith.cmpi ne, %rem3A_214, %ne3A_215 : i32
    %lt3A_217 = arith.constant 0 : i32
    %lt3A_218 = arith.cmpi slt, %rem3A_214, %lt3A_217 : i32
    %lt3A_219 = arith.constant 0 : i32
    %lt3A_220 = arith.cmpi slt, %select_n3A_213, %lt3A_219 : i32
    %ne3A_221 = arith.xori %lt3A_218, %lt3A_220 : i1
    %and3A_222 = arith.andi %ne3A_221, %ne3A_216 : i1
    %add3A_223 = arith.addi %rem3A_214, %select_n3A_213 : i32
    %select_n3A_224 = arith.select %and3A_222, %add3A_223, %rem3A_214 : i32
    %get3A_225 = arith.index_cast %select_n3A_224 : i32 to index
    %get3A_226 = arith.constant 768 : index
    %get3A_227 = arith.constant 0 : index
    %get3A_228 = vector.load %arg10[%get3A_225, %get3A_226, %get3A_227] : memref<2x2048x1024xf32, #tpu.memory_space<vmem>>, vector<1x128x1024xf32>
    %get3A_229 = vector.shape_cast %get3A_228 : vector<1x128x1024xf32> to vector<128x1024xf32>
    %dot_general3A_230 = arith.constant dense<0.000000e+00> : vector<64x1024xf32>
    %dot_general3A_231 = tpu.matmul %get3A_208, %get3A_229, %dot_general3A_230 {dimension_numbers = #tpu.dot_dimension_numbers<[1], [0], [0], [1], [0, 0, 1, 1], [], []>, transpose_lhs_hint = false} : vector<64x128xf32>, vector<128x1024xf32>, vector<64x1024xf32> -> vector<64x1024xf32>
    %add3A_232 = arith.addf %add3A_203, %dot_general3A_231 : vector<64x1024xf32>
    %get3A_233 = arith.constant 7 : index
    %get3A_234 = arith.constant 0 : index
    %get3A_235 = arith.constant 0 : index
    %get3A_236 = vector.load %arg1[%get3A_233, %get3A_234, %get3A_235] : memref<16x64x128xf32, #tpu.memory_space<vmem>>, vector<1x64x128xf32>
    %get3A_237 = vector.shape_cast %get3A_236 : vector<1x64x128xf32> to vector<64x128xf32>
    %jit3A_238 = arith.constant 2 : i32
    %eq3A_239 = arith.constant 0 : i32
    %eq3A_240 = arith.cmpi eq, %jit3A_238, %eq3A_239 : i32
    %jit3A_241 = arith.constant 1 : i32
    %select_n3A_242 = arith.select %eq3A_240, %jit3A_241, %jit3A_238 : i32
    %rem3A_243 = arith.remsi %arg0, %select_n3A_242 : i32
    %ne3A_244 = arith.constant 0 : i32
    %ne3A_245 = arith.cmpi ne, %rem3A_243, %ne3A_244 : i32
    %lt3A_246 = arith.constant 0 : i32
    %lt3A_247 = arith.cmpi slt, %rem3A_243, %lt3A_246 : i32
    %lt3A_248 = arith.constant 0 : i32
    %lt3A_249 = arith.cmpi slt, %select_n3A_242, %lt3A_248 : i32
    %ne3A_250 = arith.xori %lt3A_247, %lt3A_249 : i1
    %and3A_251 = arith.andi %ne3A_250, %ne3A_245 : i1
    %add3A_252 = arith.addi %rem3A_243, %select_n3A_242 : i32
    %select_n3A_253 = arith.select %and3A_251, %add3A_252, %rem3A_243 : i32
    %get3A_254 = arith.index_cast %select_n3A_253 : i32 to index
    %get3A_255 = arith.constant 896 : index
    %get3A_256 = arith.constant 0 : index
    %get3A_257 = vector.load %arg10[%get3A_254, %get3A_255, %get3A_256] : memref<2x2048x1024xf32, #tpu.memory_space<vmem>>, vector<1x128x1024xf32>
    %get3A_258 = vector.shape_cast %get3A_257 : vector<1x128x1024xf32> to vector<128x1024xf32>
    %dot_general3A_259 = arith.constant dense<0.000000e+00> : vector<64x1024xf32>
    %dot_general3A_260 = tpu.matmul %get3A_237, %get3A_258, %dot_general3A_259 {dimension_numbers = #tpu.dot_dimension_numbers<[1], [0], [0], [1], [0, 0, 1, 1], [], []>, transpose_lhs_hint = false} : vector<64x128xf32>, vector<128x1024xf32>, vector<64x1024xf32> -> vector<64x1024xf32>
    %add3A_261 = arith.addf %add3A_232, %dot_general3A_260 : vector<64x1024xf32>
    %get3A_262 = arith.constant 8 : index
    %get3A_263 = arith.constant 0 : index
    %get3A_264 = arith.constant 0 : index
    %get3A_265 = vector.load %arg1[%get3A_262, %get3A_263, %get3A_264] : memref<16x64x128xf32, #tpu.memory_space<vmem>>, vector<1x64x128xf32>
    %get3A_266 = vector.shape_cast %get3A_265 : vector<1x64x128xf32> to vector<64x128xf32>
    %jit3A_267 = arith.constant 2 : i32
    %eq3A_268 = arith.constant 0 : i32
    %eq3A_269 = arith.cmpi eq, %jit3A_267, %eq3A_268 : i32
    %jit3A_270 = arith.constant 1 : i32
    %select_n3A_271 = arith.select %eq3A_269, %jit3A_270, %jit3A_267 : i32
    %rem3A_272 = arith.remsi %arg0, %select_n3A_271 : i32
    %ne3A_273 = arith.constant 0 : i32
    %ne3A_274 = arith.cmpi ne, %rem3A_272, %ne3A_273 : i32
    %lt3A_275 = arith.constant 0 : i32
    %lt3A_276 = arith.cmpi slt, %rem3A_272, %lt3A_275 : i32
    %lt3A_277 = arith.constant 0 : i32
    %lt3A_278 = arith.cmpi slt, %select_n3A_271, %lt3A_277 : i32
    %ne3A_279 = arith.xori %lt3A_276, %lt3A_278 : i1
    %and3A_280 = arith.andi %ne3A_279, %ne3A_274 : i1
    %add3A_281 = arith.addi %rem3A_272, %select_n3A_271 : i32
    %select_n3A_282 = arith.select %and3A_280, %add3A_281, %rem3A_272 : i32
    %get3A_283 = arith.index_cast %select_n3A_282 : i32 to index
    %get3A_284 = arith.constant 1024 : index
    %get3A_285 = arith.constant 0 : index
    %get3A_286 = vector.load %arg10[%get3A_283, %get3A_284, %get3A_285] : memref<2x2048x1024xf32, #tpu.memory_space<vmem>>, vector<1x128x1024xf32>
    %get3A_287 = vector.shape_cast %get3A_286 : vector<1x128x1024xf32> to vector<128x1024xf32>
    %dot_general3A_288 = arith.constant dense<0.000000e+00> : vector<64x1024xf32>
    %dot_general3A_289 = tpu.matmul %get3A_266, %get3A_287, %dot_general3A_288 {dimension_numbers = #tpu.dot_dimension_numbers<[1], [0], [0], [1], [0, 0, 1, 1], [], []>, transpose_lhs_hint = false} : vector<64x128xf32>, vector<128x1024xf32>, vector<64x1024xf32> -> vector<64x1024xf32>
    %add3A_290 = arith.addf %add3A_261, %dot_general3A_289 : vector<64x1024xf32>
    %get3A_291 = arith.constant 9 : index
    %get3A_292 = arith.constant 0 : index
    %get3A_293 = arith.constant 0 : index
    %get3A_294 = vector.load %arg1[%get3A_291, %get3A_292, %get3A_293] : memref<16x64x128xf32, #tpu.memory_space<vmem>>, vector<1x64x128xf32>
    %get3A_295 = vector.shape_cast %get3A_294 : vector<1x64x128xf32> to vector<64x128xf32>
    %jit3A_296 = arith.constant 2 : i32
    %eq3A_297 = arith.constant 0 : i32
    %eq3A_298 = arith.cmpi eq, %jit3A_296, %eq3A_297 : i32
    %jit3A_299 = arith.constant 1 : i32
    %select_n3A_300 = arith.select %eq3A_298, %jit3A_299, %jit3A_296 : i32
    %rem3A_301 = arith.remsi %arg0, %select_n3A_300 : i32
    %ne3A_302 = arith.constant 0 : i32
    %ne3A_303 = arith.cmpi ne, %rem3A_301, %ne3A_302 : i32
    %lt3A_304 = arith.constant 0 : i32
    %lt3A_305 = arith.cmpi slt, %rem3A_301, %lt3A_304 : i32
    %lt3A_306 = arith.constant 0 : i32
    %lt3A_307 = arith.cmpi slt, %select_n3A_300, %lt3A_306 : i32
    %ne3A_308 = arith.xori %lt3A_305, %lt3A_307 : i1
    %and3A_309 = arith.andi %ne3A_308, %ne3A_303 : i1
    %add3A_310 = arith.addi %rem3A_301, %select_n3A_300 : i32
    %select_n3A_311 = arith.select %and3A_309, %add3A_310, %rem3A_301 : i32
    %get3A_312 = arith.index_cast %select_n3A_311 : i32 to index
    %get3A_313 = arith.constant 1152 : index
    %get3A_314 = arith.constant 0 : index
    %get3A_315 = vector.load %arg10[%get3A_312, %get3A_313, %get3A_314] : memref<2x2048x1024xf32, #tpu.memory_space<vmem>>, vector<1x128x1024xf32>
    %get3A_316 = vector.shape_cast %get3A_315 : vector<1x128x1024xf32> to vector<128x1024xf32>
    %dot_general3A_317 = arith.constant dense<0.000000e+00> : vector<64x1024xf32>
    %dot_general3A_318 = tpu.matmul %get3A_295, %get3A_316, %dot_general3A_317 {dimension_numbers = #tpu.dot_dimension_numbers<[1], [0], [0], [1], [0, 0, 1, 1], [], []>, transpose_lhs_hint = false} : vector<64x128xf32>, vector<128x1024xf32>, vector<64x1024xf32> -> vector<64x1024xf32>
    %add3A_319 = arith.addf %add3A_290, %dot_general3A_318 : vector<64x1024xf32>
    %get3A_320 = arith.constant 10 : index
    %get3A_321 = arith.constant 0 : index
    %get3A_322 = arith.constant 0 : index
    %get3A_323 = vector.load %arg1[%get3A_320, %get3A_321, %get3A_322] : memref<16x64x128xf32, #tpu.memory_space<vmem>>, vector<1x64x128xf32>
    %get3A_324 = vector.shape_cast %get3A_323 : vector<1x64x128xf32> to vector<64x128xf32>
    %jit3A_325 = arith.constant 2 : i32
    %eq3A_326 = arith.constant 0 : i32
    %eq3A_327 = arith.cmpi eq, %jit3A_325, %eq3A_326 : i32
    %jit3A_328 = arith.constant 1 : i32
    %select_n3A_329 = arith.select %eq3A_327, %jit3A_328, %jit3A_325 : i32
    %rem3A_330 = arith.remsi %arg0, %select_n3A_329 : i32
    %ne3A_331 = arith.constant 0 : i32
    %ne3A_332 = arith.cmpi ne, %rem3A_330, %ne3A_331 : i32
    %lt3A_333 = arith.constant 0 : i32
    %lt3A_334 = arith.cmpi slt, %rem3A_330, %lt3A_333 : i32
    %lt3A_335 = arith.constant 0 : i32
    %lt3A_336 = arith.cmpi slt, %select_n3A_329, %lt3A_335 : i32
    %ne3A_337 = arith.xori %lt3A_334, %lt3A_336 : i1
    %and3A_338 = arith.andi %ne3A_337, %ne3A_332 : i1
    %add3A_339 = arith.addi %rem3A_330, %select_n3A_329 : i32
    %select_n3A_340 = arith.select %and3A_338, %add3A_339, %rem3A_330 : i32
    %get3A_341 = arith.index_cast %select_n3A_340 : i32 to index
    %get3A_342 = arith.constant 1280 : index
    %get3A_343 = arith.constant 0 : index
    %get3A_344 = vector.load %arg10[%get3A_341, %get3A_342, %get3A_343] : memref<2x2048x1024xf32, #tpu.memory_space<vmem>>, vector<1x128x1024xf32>
    %get3A_345 = vector.shape_cast %get3A_344 : vector<1x128x1024xf32> to vector<128x1024xf32>
    %dot_general3A_346 = arith.constant dense<0.000000e+00> : vector<64x1024xf32>
    %dot_general3A_347 = tpu.matmul %get3A_324, %get3A_345, %dot_general3A_346 {dimension_numbers = #tpu.dot_dimension_numbers<[1], [0], [0], [1], [0, 0, 1, 1], [], []>, transpose_lhs_hint = false} : vector<64x128xf32>, vector<128x1024xf32>, vector<64x1024xf32> -> vector<64x1024xf32>
    %add3A_348 = arith.addf %add3A_319, %dot_general3A_347 : vector<64x1024xf32>
    %get3A_349 = arith.constant 11 : index
    %get3A_350 = arith.constant 0 : index
    %get3A_351 = arith.constant 0 : index
    %get3A_352 = vector.load %arg1[%get3A_349, %get3A_350, %get3A_351] : memref<16x64x128xf32, #tpu.memory_space<vmem>>, vector<1x64x128xf32>
    %get3A_353 = vector.shape_cast %get3A_352 : vector<1x64x128xf32> to vector<64x128xf32>
    %jit3A_354 = arith.constant 2 : i32
    %eq3A_355 = arith.constant 0 : i32
    %eq3A_356 = arith.cmpi eq, %jit3A_354, %eq3A_355 : i32
    %jit3A_357 = arith.constant 1 : i32
    %select_n3A_358 = arith.select %eq3A_356, %jit3A_357, %jit3A_354 : i32
    %rem3A_359 = arith.remsi %arg0, %select_n3A_358 : i32
    %ne3A_360 = arith.constant 0 : i32
    %ne3A_361 = arith.cmpi ne, %rem3A_359, %ne3A_360 : i32
    %lt3A_362 = arith.constant 0 : i32
    %lt3A_363 = arith.cmpi slt, %rem3A_359, %lt3A_362 : i32
    %lt3A_364 = arith.constant 0 : i32
    %lt3A_365 = arith.cmpi slt, %select_n3A_358, %lt3A_364 : i32
    %ne3A_366 = arith.xori %lt3A_363, %lt3A_365 : i1
    %and3A_367 = arith.andi %ne3A_366, %ne3A_361 : i1
    %add3A_368 = arith.addi %rem3A_359, %select_n3A_358 : i32
    %select_n3A_369 = arith.select %and3A_367, %add3A_368, %rem3A_359 : i32
    %get3A_370 = arith.index_cast %select_n3A_369 : i32 to index
    %get3A_371 = arith.constant 1408 : index
    %get3A_372 = arith.constant 0 : index
    %get3A_373 = vector.load %arg10[%get3A_370, %get3A_371, %get3A_372] : memref<2x2048x1024xf32, #tpu.memory_space<vmem>>, vector<1x128x1024xf32>
    %get3A_374 = vector.shape_cast %get3A_373 : vector<1x128x1024xf32> to vector<128x1024xf32>
    %dot_general3A_375 = arith.constant dense<0.000000e+00> : vector<64x1024xf32>
    %dot_general3A_376 = tpu.matmul %get3A_353, %get3A_374, %dot_general3A_375 {dimension_numbers = #tpu.dot_dimension_numbers<[1], [0], [0], [1], [0, 0, 1, 1], [], []>, transpose_lhs_hint = false} : vector<64x128xf32>, vector<128x1024xf32>, vector<64x1024xf32> -> vector<64x1024xf32>
    %add3A_377 = arith.addf %add3A_348, %dot_general3A_376 : vector<64x1024xf32>
    %get3A_378 = arith.constant 12 : index
    %get3A_379 = arith.constant 0 : index
    %get3A_380 = arith.constant 0 : index
    %get3A_381 = vector.load %arg1[%get3A_378, %get3A_379, %get3A_380] : memref<16x64x128xf32, #tpu.memory_space<vmem>>, vector<1x64x128xf32>
    %get3A_382 = vector.shape_cast %get3A_381 : vector<1x64x128xf32> to vector<64x128xf32>
    %jit3A_383 = arith.constant 2 : i32
    %eq3A_384 = arith.constant 0 : i32
    %eq3A_385 = arith.cmpi eq, %jit3A_383, %eq3A_384 : i32
    %jit3A_386 = arith.constant 1 : i32
    %select_n3A_387 = arith.select %eq3A_385, %jit3A_386, %jit3A_383 : i32
    %rem3A_388 = arith.remsi %arg0, %select_n3A_387 : i32
    %ne3A_389 = arith.constant 0 : i32
    %ne3A_390 = arith.cmpi ne, %rem3A_388, %ne3A_389 : i32
    %lt3A_391 = arith.constant 0 : i32
    %lt3A_392 = arith.cmpi slt, %rem3A_388, %lt3A_391 : i32
    %lt3A_393 = arith.constant 0 : i32
    %lt3A_394 = arith.cmpi slt, %select_n3A_387, %lt3A_393 : i32
    %ne3A_395 = arith.xori %lt3A_392, %lt3A_394 : i1
    %and3A_396 = arith.andi %ne3A_395, %ne3A_390 : i1
    %add3A_397 = arith.addi %rem3A_388, %select_n3A_387 : i32
    %select_n3A_398 = arith.select %and3A_396, %add3A_397, %rem3A_388 : i32
    %get3A_399 = arith.index_cast %select_n3A_398 : i32 to index
    %get3A_400 = arith.constant 1536 : index
    %get3A_401 = arith.constant 0 : index
    %get3A_402 = vector.load %arg10[%get3A_399, %get3A_400, %get3A_401] : memref<2x2048x1024xf32, #tpu.memory_space<vmem>>, vector<1x128x1024xf32>
    %get3A_403 = vector.shape_cast %get3A_402 : vector<1x128x1024xf32> to vector<128x1024xf32>
    %dot_general3A_404 = arith.constant dense<0.000000e+00> : vector<64x1024xf32>
    %dot_general3A_405 = tpu.matmul %get3A_382, %get3A_403, %dot_general3A_404 {dimension_numbers = #tpu.dot_dimension_numbers<[1], [0], [0], [1], [0, 0, 1, 1], [], []>, transpose_lhs_hint = false} : vector<64x128xf32>, vector<128x1024xf32>, vector<64x1024xf32> -> vector<64x1024xf32>
    %add3A_406 = arith.addf %add3A_377, %dot_general3A_405 : vector<64x1024xf32>
    %get3A_407 = arith.constant 13 : index
    %get3A_408 = arith.constant 0 : index
    %get3A_409 = arith.constant 0 : index
    %get3A_410 = vector.load %arg1[%get3A_407, %get3A_408, %get3A_409] : memref<16x64x128xf32, #tpu.memory_space<vmem>>, vector<1x64x128xf32>
    %get3A_411 = vector.shape_cast %get3A_410 : vector<1x64x128xf32> to vector<64x128xf32>
    %jit3A_412 = arith.constant 2 : i32
    %eq3A_413 = arith.constant 0 : i32
    %eq3A_414 = arith.cmpi eq, %jit3A_412, %eq3A_413 : i32
    %jit3A_415 = arith.constant 1 : i32
    %select_n3A_416 = arith.select %eq3A_414, %jit3A_415, %jit3A_412 : i32
    %rem3A_417 = arith.remsi %arg0, %select_n3A_416 : i32
    %ne3A_418 = arith.constant 0 : i32
    %ne3A_419 = arith.cmpi ne, %rem3A_417, %ne3A_418 : i32
    %lt3A_420 = arith.constant 0 : i32
    %lt3A_421 = arith.cmpi slt, %rem3A_417, %lt3A_420 : i32
    %lt3A_422 = arith.constant 0 : i32
    %lt3A_423 = arith.cmpi slt, %select_n3A_416, %lt3A_422 : i32
    %ne3A_424 = arith.xori %lt3A_421, %lt3A_423 : i1
    %and3A_425 = arith.andi %ne3A_424, %ne3A_419 : i1
    %add3A_426 = arith.addi %rem3A_417, %select_n3A_416 : i32
    %select_n3A_427 = arith.select %and3A_425, %add3A_426, %rem3A_417 : i32
    %get3A_428 = arith.index_cast %select_n3A_427 : i32 to index
    %get3A_429 = arith.constant 1664 : index
    %get3A_430 = arith.constant 0 : index
    %get3A_431 = vector.load %arg10[%get3A_428, %get3A_429, %get3A_430] : memref<2x2048x1024xf32, #tpu.memory_space<vmem>>, vector<1x128x1024xf32>
    %get3A_432 = vector.shape_cast %get3A_431 : vector<1x128x1024xf32> to vector<128x1024xf32>
    %dot_general3A_433 = arith.constant dense<0.000000e+00> : vector<64x1024xf32>
    %dot_general3A_434 = tpu.matmul %get3A_411, %get3A_432, %dot_general3A_433 {dimension_numbers = #tpu.dot_dimension_numbers<[1], [0], [0], [1], [0, 0, 1, 1], [], []>, transpose_lhs_hint = false} : vector<64x128xf32>, vector<128x1024xf32>, vector<64x1024xf32> -> vector<64x1024xf32>
    %add3A_435 = arith.addf %add3A_406, %dot_general3A_434 : vector<64x1024xf32>
    %get3A_436 = arith.constant 14 : index
    %get3A_437 = arith.constant 0 : index
    %get3A_438 = arith.constant 0 : index
    %get3A_439 = vector.load %arg1[%get3A_436, %get3A_437, %get3A_438] : memref<16x64x128xf32, #tpu.memory_space<vmem>>, vector<1x64x128xf32>
    %get3A_440 = vector.shape_cast %get3A_439 : vector<1x64x128xf32> to vector<64x128xf32>
    %jit3A_441 = arith.constant 2 : i32
    %eq3A_442 = arith.constant 0 : i32
    %eq3A_443 = arith.cmpi eq, %jit3A_441, %eq3A_442 : i32
    %jit3A_444 = arith.constant 1 : i32
    %select_n3A_445 = arith.select %eq3A_443, %jit3A_444, %jit3A_441 : i32
    %rem3A_446 = arith.remsi %arg0, %select_n3A_445 : i32
    %ne3A_447 = arith.constant 0 : i32
    %ne3A_448 = arith.cmpi ne, %rem3A_446, %ne3A_447 : i32
    %lt3A_449 = arith.constant 0 : i32
    %lt3A_450 = arith.cmpi slt, %rem3A_446, %lt3A_449 : i32
    %lt3A_451 = arith.constant 0 : i32
    %lt3A_452 = arith.cmpi slt, %select_n3A_445, %lt3A_451 : i32
    %ne3A_453 = arith.xori %lt3A_450, %lt3A_452 : i1
    %and3A_454 = arith.andi %ne3A_453, %ne3A_448 : i1
    %add3A_455 = arith.addi %rem3A_446, %select_n3A_445 : i32
    %select_n3A_456 = arith.select %and3A_454, %add3A_455, %rem3A_446 : i32
    %get3A_457 = arith.index_cast %select_n3A_456 : i32 to index
    %get3A_458 = arith.constant 1792 : index
    %get3A_459 = arith.constant 0 : index
    %get3A_460 = vector.load %arg10[%get3A_457, %get3A_458, %get3A_459] : memref<2x2048x1024xf32, #tpu.memory_space<vmem>>, vector<1x128x1024xf32>
    %get3A_461 = vector.shape_cast %get3A_460 : vector<1x128x1024xf32> to vector<128x1024xf32>
    %dot_general3A_462 = arith.constant dense<0.000000e+00> : vector<64x1024xf32>
    %dot_general3A_463 = tpu.matmul %get3A_440, %get3A_461, %dot_general3A_462 {dimension_numbers = #tpu.dot_dimension_numbers<[1], [0], [0], [1], [0, 0, 1, 1], [], []>, transpose_lhs_hint = false} : vector<64x128xf32>, vector<128x1024xf32>, vector<64x1024xf32> -> vector<64x1024xf32>
    %add3A_464 = arith.addf %add3A_435, %dot_general3A_463 : vector<64x1024xf32>
    %get3A_465 = arith.constant 15 : index
    %get3A_466 = arith.constant 0 : index
    %get3A_467 = arith.constant 0 : index
    %get3A_468 = vector.load %arg1[%get3A_465, %get3A_466, %get3A_467] : memref<16x64x128xf32, #tpu.memory_space<vmem>>, vector<1x64x128xf32>
    %get3A_469 = vector.shape_cast %get3A_468 : vector<1x64x128xf32> to vector<64x128xf32>
    %jit3A_470 = arith.constant 2 : i32
    %eq3A_471 = arith.constant 0 : i32
    %eq3A_472 = arith.cmpi eq, %jit3A_470, %eq3A_471 : i32
    %jit3A_473 = arith.constant 1 : i32
    %select_n3A_474 = arith.select %eq3A_472, %jit3A_473, %jit3A_470 : i32
    %rem3A_475 = arith.remsi %arg0, %select_n3A_474 : i32
    %ne3A_476 = arith.constant 0 : i32
    %ne3A_477 = arith.cmpi ne, %rem3A_475, %ne3A_476 : i32
    %lt3A_478 = arith.constant 0 : i32
    %lt3A_479 = arith.cmpi slt, %rem3A_475, %lt3A_478 : i32
    %lt3A_480 = arith.constant 0 : i32
    %lt3A_481 = arith.cmpi slt, %select_n3A_474, %lt3A_480 : i32
    %ne3A_482 = arith.xori %lt3A_479, %lt3A_481 : i1
    %and3A_483 = arith.andi %ne3A_482, %ne3A_477 : i1
    %add3A_484 = arith.addi %rem3A_475, %select_n3A_474 : i32
    %select_n3A_485 = arith.select %and3A_483, %add3A_484, %rem3A_475 : i32
    %get3A_486 = arith.index_cast %select_n3A_485 : i32 to index
    %get3A_487 = arith.constant 1920 : index
    %get3A_488 = arith.constant 0 : index
    %get3A_489 = vector.load %arg10[%get3A_486, %get3A_487, %get3A_488] : memref<2x2048x1024xf32, #tpu.memory_space<vmem>>, vector<1x128x1024xf32>
    %get3A_490 = vector.shape_cast %get3A_489 : vector<1x128x1024xf32> to vector<128x1024xf32>
    %dot_general3A_491 = arith.constant dense<0.000000e+00> : vector<64x1024xf32>
    %dot_general3A_492 = tpu.matmul %get3A_469, %get3A_490, %dot_general3A_491 {dimension_numbers = #tpu.dot_dimension_numbers<[1], [0], [0], [1], [0, 0, 1, 1], [], []>, transpose_lhs_hint = false} : vector<64x128xf32>, vector<128x1024xf32>, vector<64x1024xf32> -> vector<64x1024xf32>
    %add3A_493 = arith.addf %add3A_464, %dot_general3A_492 : vector<64x1024xf32>
    %get3A_494 = arith.constant 0 : index
    %get3A_495 = arith.constant 0 : index
    %get3A_496 = vector.load %arg12[%get3A_494, %get3A_495] : memref<64x1024xf32, #tpu.memory_space<vmem>>, vector<64x1024xf32>
    %add3A_497 = arith.addf %get3A_496, %add3A_493 : vector<64x1024xf32>
    %swap3A = arith.constant 0 : index
    %swap3A_498 = arith.constant 0 : index
    %swap3A_499 = vector.load %arg12[%swap3A, %swap3A_498] : memref<64x1024xf32, #tpu.memory_space<vmem>>, vector<64x1024xf32>
    tpu.vector_store %arg12[%swap3A, %swap3A_498], %add3A_497 {strides = array<i32>} : memref<64x1024xf32, #tpu.memory_space<vmem>>, vector<64x1024xf32>,
    %eq3A_500 = arith.constant 23 : i32
    %eq3A_501 = arith.cmpi eq, %arg0, %eq3A_500 : i32
    %convert_element_type3A_502 = arith.extui %eq3A_501 : i1 to i32
    %cond3A_503 = arith.constant 0 : i32
    %cond3A_504 = arith.cmpi ne, %convert_element_type3A_502, %cond3A_503 : i32
    scf.if %cond3A_504 {
      %get3A_505 = arith.constant 0 : index
      %get3A_506 = arith.constant 0 : index
      %get3A_507 = vector.load %arg12[%get3A_505, %get3A_506] : memref<64x1024xf32, #tpu.memory_space<vmem>>, vector<64x1024xf32>
      %mul3A_508 = arith.constant 5.000000e-01 : f32
      %mul3A_509 = vector.broadcast %mul3A_508 : f32 to vector<64x1024xf32>
      %mul3A_510 = arith.mulf %mul3A_509, %get3A_507 : vector<64x1024xf32>
      %mul3A_511 = arith.constant 0.707106769 : f32
      %mul3A_512 = vector.broadcast %mul3A_511 : f32 to vector<64x1024xf32>
      %mul3A_513 = arith.mulf %get3A_507, %mul3A_512 : vector<64x1024xf32>
      %erf3A = math.erf %mul3A_513 : vector<64x1024xf32>
      %add3A_514 = arith.constant 1.000000e+00 : f32
      %add3A_515 = vector.broadcast %add3A_514 : f32 to vector<64x1024xf32>
      %add3A_516 = arith.addf %add3A_515, %erf3A : vector<64x1024xf32>
      %mul3A_517 = arith.mulf %mul3A_510, %add3A_516 : vector<64x1024xf32>
      %get3A_518 = arith.constant 0 : index
      %get3A_519 = arith.constant 0 : index
      %get3A_520 = vector.load %arg4[%get3A_518, %get3A_519] : memref<1024x512xf32, #tpu.memory_space<vmem>>, vector<1024x512xf32>
      %dot_general3A_521 = arith.constant dense<0.000000e+00> : vector<64x512xf32>
      %dot_general3A_522 = tpu.matmul %mul3A_517, %get3A_520, %dot_general3A_521 {dimension_numbers = #tpu.dot_dimension_numbers<[1], [0], [0], [1], [0, 0, 1, 1], [], []>, transpose_lhs_hint = false} : vector<64x1024xf32>, vector<1024x512xf32>, vector<64x512xf32> -> vector<64x512xf32>
      %get3A_523 = arith.constant 0 : index
      %get3A_524 = vector.load %arg5[%get3A_523] : memref<512xf32, #tpu.memory_space<vmem>>, vector<512xf32>
      %broadcast_in_dim3A = vector.shape_cast %get3A_524 : vector<512xf32> to vector<1x512xf32>
      %add3A_525 = vector.broadcast %broadcast_in_dim3A : vector<1x512xf32> to vector<64x512xf32>
      %add3A_526 = arith.addf %dot_general3A_522, %add3A_525 : vector<64x512xf32>
      %mul3A_527 = arith.constant 5.000000e-01 : f32
      %mul3A_528 = vector.broadcast %mul3A_527 : f32 to vector<64x512xf32>
      %mul3A_529 = arith.mulf %mul3A_528, %add3A_526 : vector<64x512xf32>
      %mul3A_530 = arith.constant 0.707106769 : f32
      %mul3A_531 = vector.broadcast %mul3A_530 : f32 to vector<64x512xf32>
      %mul3A_532 = arith.mulf %add3A_526, %mul3A_531 : vector<64x512xf32>
      %erf3A_533 = math.erf %mul3A_532 : vector<64x512xf32>
      %add3A_534 = arith.constant 1.000000e+00 : f32
      %add3A_535 = vector.broadcast %add3A_534 : f32 to vector<64x512xf32>
      %add3A_536 = arith.addf %add3A_535, %erf3A_533 : vector<64x512xf32>
      %mul3A_537 = arith.mulf %mul3A_529, %add3A_536 : vector<64x512xf32>
      %get3A_538 = arith.constant 0 : index
      %get3A_539 = arith.constant 0 : index
      %get3A_540 = vector.load %arg6[%get3A_538, %get3A_539] : memref<512x1xf32, #tpu.memory_space<vmem>>, vector<512x1xf32>
      %dot_general3A_541 = arith.constant dense<0.000000e+00> : vector<64x1xf32>
      %dot_general3A_542 = tpu.matmul %mul3A_537, %get3A_540, %dot_general3A_541 {dimension_numbers = #tpu.dot_dimension_numbers<[1], [0], [0], [1], [0, 0, 1, 1], [], []>, transpose_lhs_hint = false} : vector<64x512xf32>, vector<512x1xf32>, vector<64x1xf32> -> vector<64x1xf32>
      %get3A_543 = arith.constant 0 : index
      %get3A_544 = vector.load %arg7[%get3A_543] : memref<1xf32, #tpu.memory_space<vmem>>, vector<1xf32>
      %broadcast_in_dim3A_545 = vector.shape_cast %get3A_544 : vector<1xf32> to vector<1x1xf32>
      %add3A_546 = vector.broadcast %broadcast_in_dim3A_545 : vector<1x1xf32> to vector<64x1xf32>
      %add3A_547 = arith.addf %dot_general3A_542, %add3A_546 : vector<64x1xf32>
      %swap3A_548 = arith.constant 0 : index
      %swap3A_549 = arith.constant 0 : index
      %swap3A_550 = vector.load %arg9[%swap3A_548, %swap3A_549] : memref<64x1xf32, #tpu.memory_space<vmem>>, vector<64x1xf32>
      tpu.vector_store %arg9[%swap3A_548, %swap3A_549], %add3A_547 {strides = array<i32>} : memref<64x1xf32, #tpu.memory_space<vmem>>, vector<64x1xf32>,
    } else {
    }
    return
  }
  func.func @transform_0(%arg0: i32) -> (i32, i32, i32) {
    %c0_i32 = arith.constant 0 : i32
    %c0_i32_0 = arith.constant 0 : i32
    %c0_i32_1 = arith.constant 0 : i32
    return %arg0, %c0_i32, %c0_i32_0 : i32, i32, i32
  }
  func.func @transform_1(%arg0: i32) -> (i32, i32) {
    %c0_i32 = arith.constant 0 : i32
    %c0_i32_0 = arith.constant 0 : i32
    %c0_i32_1 = arith.constant 0 : i32
    return %c0_i32, %c0_i32_0 : i32, i32
  }
  func.func @transform_2(%arg0: i32) -> i32 {
    %c0_i32 = arith.constant 0 : i32
    %c0_i32_0 = arith.constant 0 : i32
    return %c0_i32 : i32
  }
  func.func @transform_3(%arg0: i32) -> (i32, i32) {
    %c0_i32 = arith.constant 0 : i32
    %c0_i32_0 = arith.constant 0 : i32
    %c0_i32_1 = arith.constant 0 : i32
    return %c0_i32, %c0_i32_0 : i32, i32
  }
  func.func @transform_4(%arg0: i32) -> i32 {
    %c0_i32 = arith.constant 0 : i32
    %c0_i32_0 = arith.constant 0 : i32
    return %c0_i32 : i32
  }
  func.func @transform_5(%arg0: i32) -> (i32, i32) {
    %c0_i32 = arith.constant 0 : i32
    %c0_i32_0 = arith.constant 0 : i32
    %c0_i32_1 = arith.constant 0 : i32
    return %c0_i32, %c0_i32_0 : i32, i32
  }
  func.func @transform_6(%arg0: i32) -> i32 {
    %c0_i32 = arith.constant 0 : i32
    %c0_i32_0 = arith.constant 0 : i32
    return %c0_i32 : i32
  }
  func.func @transform_8(%arg0: i32) -> (i32, i32) {
    %c0_i32 = arith.constant 0 : i32
    %c0_i32_0 = arith.constant 0 : i32
    %c0_i32_1 = arith.constant 0 : i32
    return %c0_i32, %c0_i32_0 : i32, i32
  }
}

</mosaic_0001>

<sc_bundles>
// kernel: kernel.4.cloned.1.call-start
scs
__scs_entry_jumppad:
0x0: {  	(pc) =	sbr.rel $0x88, $3  }
0x1: {  	(tag) =	ssettag $0x0;
	lr =	simm.s32 $0x1  }
0x2: {  	[smem:$0x3F97] =	sst lr;
	_ =	strace $0xD0000000  }
0x3: {  	_ = 	snop  }
0x4: {  	_ = 	snop  }
0x5: {  	_ = 	snop  }
0x6: {  	_ = 	snop  }
0x7: {  	_ = 	snop  }
__scs_overlays_trampoline_lowered:
0x8: {  	[smem:$0x3FA6] =	sst s0  }
0x9: {  	[smem:$0x3FA7] =	sst s1  }
0xa: {  	[smem:$0x3FA8] =	sst s2  }
0xb: {  	[smem:$0x3FA9] =	sst s3  }
0xc: {  	[smem:$0x3FAA] =	sst s4  }
0xd: {  	[smem:$0x3FAB] =	sst s5  }
0xe: {  	[smem:$0x3FAC] =	sst s6  }
0xf: {  	[smem:$0x3FAD] =	sst s7  }
0x10: {  	[smem:$0x3FAE] =	sst s8  }
0x11: {  	[smem:$0x3FAF] =	sst s9;
	s0 =	simm.s32 @!p0 $0x0  }
0x12: {  	s1 =	sld [smem:$0x3F95];
	s0 =	simm.s32 @p0 $0x1  }
0x13: {  	[smem:$0x3FB0] =	sst s0;
	s0 =	simm.s32 @!p1 $0x0  }
0x14: {  	s2 =	sld [smem:$0x3F94];
	s0 =	simm.s32 @p1 $0x1  }
0x15: {  	[smem:$0x3FB1] =	sst s0;
	s0 =	simm.s32 @!p2 $0x0  }
0x16: {  	s3 =	sld [smem:$0x3FDB];
	s0 =	simm.s32 @p2 $0x1  }
0x17: {  	s4 =	simm.s32 $0x1BF5;
	[smem:$0x3FB3] =	sst s0  }
0x18: {  	s0 =	sld [smem:$0x3F96];
	_ =	swait.ge [sflag:s4], $0x0  }
0x19: {  	s7 =	sld [smem:$0x3F97]  }
0x1a: {  	s8 =	sadd.s32 $0xFFFFE003, lr  }
0x1b: {  	s9 =	sadd.s32 $0xFFFFFEF7, lr;
	s5 =	simm.s32 $0xFFFFFFFF;
	p2 =	slt.u32 s8, $0xFFFFF086  }
0x1c: {  	p1 =	slt.u32 s9, $0xF7A;
	s5 =	simm.s32 @!p2 $0x0  }
0x1d: {  	s5 =	simm.s32 @p1 $0x1;
	p0 =	seq.s32 s7, s2  }
0x1e: {  	s7 =	smul.u32 @!p0 $0xF7A, s2;
	p2 =	seq.s32 @!p0 s5, $0x0  }
0x1f: {  	s9 =	smul.u32 $0xF7A, s1;
	s8 =	simm.s32 @!p0 $0x1BF5;
	p2 =	por !p2, p0  }
0x20: {  	[sflag:s8] =	ssyncset.s32 @!p0 $0xFFFFF086;
	s6 =	sadd.s32 @!p0 s3, s7;
	s7 =	simm.s32 @!p0 $0x108  }
0x21: {  	s3 =	sadd.s32 s3, s9;
	s6 =	sadd.s32 @!p0 $0x88, s6;
	s7 =	simm.s32 @p2 $0x1082  }
0x22: {  	[simem:s7], [sflag:s8] =	dma.local @!p0 [hbm:s6], $0xF7A  }
0x23: {  	s9 =	sor.u32 $0xD0000000, s2;
	s6 =	simm.s32 $0x108;
	_ =	swait.ge @!p0 [sflag:s8], $0x0  }
0x24: {  	s3 =	sadd.s32 $0x88, s3;
	s6 =	simm.s32 @!p1 $0x1082;
	[sflag:s4] =	ssyncset.s32 $0xFFFFF086  }
0x25: {  	[simem:s6], [sflag:s4] =	dma.local [hbm:s3], $0xF7A  }
0x26: {  	[smem:$0x3F97] =	sst s1;
	(tag) =	ssettag s2;
	_ =	strace s9  }
0x27: {  	s1 =	sld [smem:$0x3FA7]  }
0x28: {  	s2 =	sld [smem:$0x3FA8]  }
0x29: {  	s4 =	sld [smem:$0x3FAA]  }
0x2a: {  	p0 =	seq.s32 s5, $0x0;
	s5 =	sld [smem:$0x3FAB]  }
0x2b: {  	s6 =	sld [smem:$0x3FAC]  }
0x2c: {  	s7 =	sld [smem:$0x3FAD]  }
0x2d: {  	s3 =	simm.s32 $0x108;
	s8 =	sld [smem:$0x3FAE]  }
0x2e: {  	s3 =	simm.s32 @!p0 $0x1082;
	s9 =	sld [smem:$0x3FAF]  }
0x2f: {  	lr =	sadd.s32 s0, s3;
	s0 =	sld [smem:$0x3FA6]  }
0x30: {  	s3 =	sld [smem:$0x3FA9]  }
0x31: {  	[smem:$0x3FB2] =	sst s10  }
0x32: {  	s10 =	sld [smem:$0x3FB0];
	_ =	sdelay $0x3  }
0x33: {  	p0 =	seq.s32 s10, $0x1;
	s10 =	sld [smem:$0x3FB2];
	_ =	sdelay $0x3  }
0x34: {  	[smem:$0x3FB2] =	sst s10  }
0x35: {  	s10 =	sld [smem:$0x3FB1];
	_ =	sdelay $0x3  }
0x36: {  	p1 =	seq.s32 s10, $0x1;
	s10 =	sld [smem:$0x3FB2];
	_ =	sdelay $0x3  }
0x37: {  	[smem:$0x3FB2] =	sst s10  }
0x38: {  	s10 =	sld [smem:$0x3FB3]  }
0x39: {  	_ = 	snop;
	(pc) =	sbr.ind lr, $3  }
0x3a: {  	_ = 	snop  }
0x3b: {  	_ = 	snop  }
0x3c: {  	p2 =	seq.s32 s10, $0x1;
	s10 =	sld [smem:$0x3FB2]  }
0x3d: {  	_ =	shalt  }
0x3e: {  	_ =	shalt  }
0x3f: {  	_ =	shalt  }
0x40: {  	_ =	shalt  }
0x41: {  	_ =	shalt  }
0x42: {  	_ =	shalt  }
0x43: {  	_ =	shalt  }
0x44: {  	_ =	shalt  }
0x45: {  	_ =	shalt  }
0x46: {  	_ =	shalt  }
0x47: {  	_ =	shalt  }
0x48: {  	_ =	shalt  }
0x49: {  	_ =	shalt  }
0x4a: {  	_ =	shalt  }
0x4b: {  	_ =	shalt  }
0x4c: {  	_ =	shalt  }
0x4d: {  	_ =	shalt  }
0x4e: {  	_ =	shalt  }
0x4f: {  	_ =	shalt  }
0x50: {  	_ =	shalt  }
0x51: {  	_ =	shalt  }
0x52: {  	_ =	shalt  }
0x53: {  	_ =	shalt  }
0x54: {  	_ =	shalt  }
0x55: {  	_ =	shalt  }
0x56: {  	_ =	shalt  }
0x57: {  	_ =	shalt  }
0x58: {  	_ =	shalt  }
0x59: {  	_ =	shalt  }
0x5a: {  	_ =	shalt  }
0x5b: {  	_ =	shalt  }
0x5c: {  	_ =	shalt  }
0x5d: {  	_ =	shalt  }
0x5e: {  	_ =	shalt  }
0x5f: {  	_ =	shalt  }
0x60: {  	_ =	shalt  }
0x61: {  	_ =	shalt  }
0x62: {  	_ =	shalt  }
0x63: {  	_ =	shalt  }
0x64: {  	_ =	shalt  }
0x65: {  	_ =	shalt  }
0x66: {  	_ =	shalt  }
0x67: {  	_ =	shalt  }
0x68: {  	_ =	shalt  }
0x69: {  	_ =	shalt  }
0x6a: {  	_ =	shalt  }
0x6b: {  	_ =	shalt  }
0x6c: {  	_ =	shalt  }
0x6d: {  	_ =	shalt  }
0x6e: {  	_ =	shalt  }
0x6f: {  	_ =	shalt  }
0x70: {  	_ =	shalt  }
0x71: {  	_ =	shalt  }
0x72: {  	_ =	shalt  }
0x73: {  	_ =	shalt  }
0x74: {  	_ =	shalt  }
0x75: {  	_ =	shalt  }
0x76: {  	_ =	shalt  }
0x77: {  	_ =	shalt  }
0x78: {  	_ =	shalt  }
0x79: {  	_ =	shalt  }
0x7a: {  	_ =	shalt  }
0x7b: {  	_ =	shalt  }
0x7c: {  	_ =	shalt  }
0x7d: {  	_ =	shalt  }
0x7e: {  	_ =	shalt  }
0x7f: {  	_ =	shalt  }
0x80: {  	_ =	shalt  }
0x81: {  	_ =	shalt  }
0x82: {  	_ =	shalt  }
0x83: {  	_ =	shalt  }
0x84: {  	_ =	shalt  }
0x85: {  	_ =	shalt  }
0x86: {  	_ =	shalt  }
0x87: {  	_ =	shalt  }
.Lfunc_end0:
.L_simem_size_0:
called_computation_lowered:
.L_overlay_start_0:
0x88: {  	s2 =	sld [smem:$0x3FD9]  }
0x89: {  	s3 =	sld [smem:$0x3FFE];
	_ =	sdelay $0x1  }
0x8a: {  	s1 =	srdreg.scid  }
0x8b: {  	s0 =	sand.u32 $0x1, s1  }
0x8c: {  	s17 =	sshll.u32 s0, $0xA;
	s2 =	sadd.s32 s3, s2  }
0x8d: {  	s2 =	sadd.s32 s2, s17  }
0x8e: {  	[smem:$0x3FBE] =	sst s2  }
0x8f: {  	_ = 	snop  }
0x90: {  	s2 =	sld [smem:$0x3FC8];
	(tm) =	ssettm $0x1  }
0x91: {  	s18 =	sld [smem:$0x3FFB];
	_ =	sdelay $0x3  }
0x92: {  	_ =	strace s18  }
0x93: {  	s3 =	sld [smem:$0x3FFC];
	_ =	sdelay $0x3  }
0x94: {  	_ =	strace s3  }
0x95: {  	s3 =	sld [smem:$0x3FFD];
	_ =	sdelay $0x3  }
0x96: {  	_ =	strace s3  }
0x97: {  	_ =	strace $0x8FFFFFFF  }
0x98: {  	s19 =	sld [smem:$0x3FDB];
	_ =	sdelay $0x1  }
0x99: {  	s4 =	simm.s32 $_scs_section_size  }
0x9a: {  	s5 =	simm.s32 $_size__tile_overlayer_lowered;
	s6 =	simm.s32 $_tile_overlayer_lowered  }
0x9b: {  	s22 =	simm.s32 $0x1BFF;
	s21 =	sshll.u32 s6, $0x1;
	s3 =	sadd.s32 s4, s19  }
0x9c: {  	s7 =	simm.s32 $0x0;
	s20 =	sshll.u32 s5, $0x1;
	s5 =	sadd.s32 s21, s3  }
0x9d: {  	[timem:s7], [sflag:s22] =	dma.local [hbm:s5], s20  }
0x9e: {  	_ =	swait.ge [sflag:s22], s20  }
0x9f: {  	s4 =	ssub.s32 $0x0, s20;
	[sflag:s22] =	ssyncset.done $0x0  }
0xa0: {  	[sflag:s22] =	ssyncadd.s32 s4;
	_ =	sdelay $0x1  }
0xa1: {  	s23 =	simm.s32 $0x1B8B  }
0xa2: {  	_ =	swait.ge [sflag:s23], $0x1  }
0xa3: {  	[sflag:s23] =	ssyncset.done $0x0  }
0xa4: {  	s25 =	simm.s32 $0x1B8E;
	s24 =	sld [smem:$0x3FFE];
	[sflag:s23] =	ssyncadd.s32 $0xFFFFFFFF  }
0xa5: {  	s26 =	simm.s32 $execute0_lowered;
	[smem:$0x3FD2] =	sst s25  }
0xa6: {  	s5 =	sshll.u32 s26, $0x1;
	_ =	strace $0x80000046;
	[dreg:$0x1] =	wrdreg $0xFFFFFFFF  }
0xa7: {  	s28 =	simm.s32 $_size_execute0_lowered;
	s3 =	sadd.s32 s3, s5;
	[dreg:$0x0] =	wrdreg $0x0  }
0xa8: {  	s5 =	sshll.u32 s28, $0x1;
	[dreg:$0x2] =	wrdreg s3  }
0xa9: {  	[dreg:$0x3] =	wrdreg s5  }
0xaa: {  	[dreg:$0x4] =	wrdreg $0xC0  }
0xab: {  	_ =	task [dreg:s7], $0x5FFFF  }
0xac: {  	[dreg:$0x1] =	wrdreg $0xFFFFFFFF  }
0xad: {  	[dreg:$0x0] =	wrdreg $0x60  }
0xae: {  	[dreg:$0x2] =	wrdreg s24  }
0xaf: {  	[dreg:$0x3] =	wrdreg s2  }
0xb0: {  	[dreg:$0x4] =	wrdreg $0x9  }
0xb1: {  	_ =	task.clear_ibuf [dreg:s7], $0x5FFFF;
	_ =	strace $0x90000046  }
0xb2: {  	s29 =	simm.s32 $0x9;
	_ =	strace $0x80000048  }
0xb3: {  	_ =	swait.ge [sflag:s29], $0x1  }
0xb4: {  	[sflag:s29] =	ssyncadd.s32 $0xFFFFFFFF  }
0xb5: {  	_ =	strace $0x90000048  }
0xb6: {  	_ =	sfence  }
0xb7: {  	s30 =	sld [smem:$0x0];
	_ =	sdelay $0x2  }
0xb8: {  	s31 =	sshll.u32 s1, $0xD;
	s1 =	sshrl.u32 s1, $0x2  }
0xb9: {  	s3 =	sand.u32 $0x4000, s31;
	s1 =	sadd.s32 s1, s30  }
0xba: {  	s0 =	sor.u32 s3, s0;
	s1 =	sshll.u32 s1, $0x11  }
0xbb: {  	s0 =	sor.u32 s1, s0  }
0xbc: {  	s0 =	sadd.s32 $0x8F2B, s0  }
0xbd: {  	[sflag:s0] =	ssyncadd.remote.s32 $0x1  }
0xbe: {  	_ =	sfence.sel $0xFFFF  }
0xbf: {  	[dreg:$0x0] =	wrdreg $0xFFFFFFFF;
	(pc) =	sbr.abs _section_cstart, $3  }
0xc0: {  	[dreg:$0x1] =	wrdreg $0xFFFFFFFF  }
0xc1: {  	_ =	task.clear_ibuf [dreg:s7], $0x2FFFF;
	_ =	strace $0x9FFFFFFF  }
0xc2: {  	(tm) =	ssettm $0x7FFFFFFF  }
0xc3: {  	_ =	shalt  }
tec
execute0_lowered:
.L_overlay_start_1:
0x0: {  	(tag) =	ssettag $0x1  }
0x1: {  	s6 =	rddreg [dreg:$0x0];
	s1 =	srdreg.scid  }
0x2: {  	s0 =	stileid.u32;
	s2 =	rddreg [dreg:$0x1];
	s3 =	simm.s32 $0x0  }
0x3: {  	s11 =	simm.s32 $0x600;
	s12 =	simm.s32 $0x2;
	s14 =	simm.s32 $0x1200  }
0x4: {  	s15 =	simm.s32 $0x1;
	s7 =	sand.u32 $0x1, s1;
	s4 =	sshll.u32 s0, $0x1  }
0x5: {  	s16 =	simm.s32 $0x0;
	[smem:$0x7FF] =	sst s3;
	s13 =	sor.u32 s7, s4  }
0x6: {  	s1 =	rddreg [dreg:$0x2];
	_ =	strace $0x80000047;
	s5 =	smul.u32 $0x6, s13  }
0x7: {  	v1 =	vlaneseq.u32;
	s4 =	sadd.s32 $0x1600, s6;
	s7 =	ssub.s32 $0x2, s7;
	s8 =	smul.u32 $0x3000, s13  }
0x8: {  	v0 =	vand.u32 $0x1, v1;
	s10 =	sshrl.u32 s7, $0x1;
	p0 =	sne.s32 s13, $0x0;
	s13 =	simm.s32 $0xC00  }
0x9: {  	v0 =	vmul.u32 $0x2, v0;
	s10 =	ssub.s32 s7, s10;
	s9 =	sadd.s32 s5, s6;
	s5 =	sadd.s32 $0xCC00, s6  }
0xa: {  	v1 =	vshrl.u32 v1, $0x1;
	s8 =	sadd.s32 s8, s6;
	s6 =	sadd.s32 $0xCE00, s6;
	s7 =	sadd.s32 $0x9C00, s9  }
0xb: {  	v1 =	vmul.u32 $0x30, v1;
	v2 =	vor.u32 $0x1, v0;
	s8 =	sadd.s32 $0xD000, s8;
	s9 =	smax.u32 s10, $0x1;
	s10 =	simm.s32 $0x30  }
.LBB2_1:
0xc: {  	s17 =	sand.u32 $0x38, s3  }
0xd: {  	v3 =	vmov s17  }
0xe: {  	s28 =	simm.s32 $0x0;
	v3 =	vmul.u32 $0x30, v3  }
0xf: {  	s17 =	sand.u32 $0x3C, s28  }
0x10: {  	v4 =	vmov s17;
	v3 =	vbroadcast v3, $0x0  }
0x11: {  	v4 =	vand.u32 $0x38, v4  }
0x12: {  	v5 =	vor.u32 s17, v0;
	v3 =	vor.u32 v4, v3  }
0x13: {  	v4 =	vand.u32 $0x6, v5;
	v3 =	vadd.s32 v1, v3  }
0x14: {  	v5 =	vor.u32 s17, v2;
	v4 =	vor.u32 v4, v3  }
0x15: {  	[tilespmem:s3], [sflag:$0x2] =	stream.strided.gather [hbm4b:s7+s10], $0xC00, s11, s10, $0x38;
	v5 =	vand.u32 $0x7, v5;
	[tilespmem:$0x1A240] =	vst v63  }
0x16: {  	s29 =	simm.s32 $0x8;
	_ =	swait.ge [sflag:s12], $0xC00;
	v3 =	vor.u32 v5, v3  }
0x17: {  	[sflag:s12] =	ssyncset.done $0x0;
	s17 =	sand.u32 $0x38, s29  }
0x18: {  	[sflag:s12] =	ssyncadd.s32 $0xFFFFF400;
	v5 =	vmov s17  }
0x19: {  	s30 =	simm.s32 $0x0;
	v5 =	vmul.u32 $0x30, v5;
	v4 =	vld.idx.msk [tilespmem:v4+s3+$0x0], $0xffff  }
0x1a: {  	s17 =	sand.u32 $0x3C, s30  }
0x1b: {  	v6 =	vmov s17;
	v5 =	vbroadcast v5, $0x0;
	v3 =	vld.idx.msk [tilespmem:v3+s3+$0x0], $0xffff  }
0x1c: {  	v6 =	vand.u32 $0x38, v6  }
0x1d: {  	v7 =	vor.u32 s17, v0;
	v5 =	vor.u32 v6, v5  }
0x1e: {  	s18 =	simm.s32 $0x10;
	v6 =	vand.u32 $0x6, v7;
	v5 =	vadd.s32 v1, v5;
	v4 =	vmul.u32 $0x41, v4  }
0x1f: {  	s18 =	sand.u32 $0x38, s18;
	v7 =	vor.u32 s17, v2;
	v6 =	vor.u32 v6, v5  }
0x20: {  	v7 =	vand.u32 $0x7, v7;
	v3 =	vadd.s32 v3, v4;
	v4 =	vmov s18  }
0x21: {  	s31 =	simm.s32 $0x1;
	v4 =	vmul.u32 $0x30, v4;
	[tilespmem:s13+$0x0] =	vst v3;
	v3 =	vor.u32 v7, v5  }
0x22: {  	s17 =	sand.u32 $0x3C, s31  }
0x23: {  	v5 =	vmov s17;
	v4 =	vbroadcast v4, $0x0  }
0x24: {  	v6 =	vld.idx.msk [tilespmem:v6+s3+$0x0], $0xffff;
	v5 =	vand.u32 $0x38, v5  }
0x25: {  	v4 =	vor.u32 v5, v4;
	v5 =	vor.u32 s17, v2  }
0x26: {  	v7 =	vor.u32 s17, v0;
	v8 =	vand.u32 $0x7, v5;
	v5 =	vld.idx.msk [tilespmem:v3+s3+$0x0], $0xffff  }
0x27: {  	v7 =	vand.u32 $0x6, v7;
	v4 =	vadd.s32 v1, v4  }
0x28: {  	v3 =	vor.u32 v7, v4  }
0x29: {  	s20 =	simm.s32 $0x4;
	s18 =	simm.s32 $0x18;
	v6 =	vmul.u32 $0x41, v6  }
0x2a: {  	s19 =	simm.s32 $0xC00;
	s21 =	sand.u32 $0x38, s18;
	s17 =	simm.s32 $0x3;
	v4 =	vor.u32 v8, v4  }
.LBB2_2:
0x2b: {  	p1 =	sne.s32 s20, $0x5F;
	v7 =	vmov s21;
	v5 =	vadd.s32 v5, v6;
	s19 =	sadd.s32 $0x10, s19  }
0x2c: {  	s21 =	sshrl.u32 s17, $0x1;
	s17 =	smov.u32 s20;
	v6 =	vmul.u32 $0x30, v7;
	[tilespmem:s19+$0x0] =	vst v5  }
0x2d: {  	s21 =	sand.u32 $0x3C, s21;
	v7 =	vld.idx.msk [tilespmem:v3+s3+$0x0], $0xffff  }
0x2e: {  	v3 =	vmov s21;
	v6 =	vbroadcast v6, $0x0  }
0x2f: {  	v3 =	vand.u32 $0x38, v3;
	v5 =	vld.idx.msk [tilespmem:v4+s3+$0x0], $0xffff  }
.Ltmp0:
0x30: {  	v4 =	vor.u32 s21, v0;
	v3 =	vor.u32 v3, v6;
	(pc) =	sbr.rel @p1 .LBB2_2-.Ltmp0, $4  }
0x31: {  	v4 =	vand.u32 $0x6, v4;
	v8 =	vadd.s32 v1, v3  }
0x32: {  	v3 =	vor.u32 v4, v8;
	v4 =	vor.u32 s21, v2  }
0x33: {  	s18 =	sadd.s32 $0x8, s18;
	v6 =	vmul.u32 $0x41, v7;
	v4 =	vand.u32 $0x7, v4  }
0x34: {  	s20 =	sadd.s32 $0x1, s20;
	s21 =	sand.u32 $0x38, s18;
	v4 =	vor.u32 v4, v8  }
0x35: {  	_ = 	snop  }
0x36: {  	v7 =	vmov s21  }
0x37: {  	v5 =	vadd.s32 v5, v6;
	s18 =	sadd.s32 $0x10, s19;
	s17 =	sshrl.u32 s17, $0x1;
	v58 =	vmul.u32 $0x30, v7  }
0x38: {  	[tilespmem:s18+$0x0] =	vst v5;
	s17 =	sand.u32 $0x3C, s17  }
0x39: {  	v3 =	vld.idx.msk [tilespmem:v3+s3+$0x0], $0xffff;
	v59 =	vmov s17;
	v6 =	vbroadcast v58, $0x0  }
0x3a: {  	v5 =	vand.u32 $0x38, v59  }
0x3b: {  	v4 =	vld.idx.msk [tilespmem:v4+s3+$0x0], $0xffff;
	v60 =	vor.u32 s17, v0;
	v5 =	vor.u32 v5, v6  }
0x3c: {  	v61 =	vand.u32 $0x6, v60;
	v5 =	vadd.s32 v1, v5  }
0x3d: {  	v62 =	vor.u32 s17, v2;
	v6 =	vor.u32 v61, v5  }
0x3e: {  	v7 =	vand.u32 $0x7, v62;
	v3 =	vmul.u32 $0x41, v3  }
0x3f: {  	v5 =	vor.u32 v7, v5  }
0x40: {  	s31 =	sadd.s32 $0x10, s18;
	v3 =	vadd.s32 v4, v3  }
0x41: {  	[tilespmem:s31+$0x0] =	vst v3  }
0x42: {  	v3 =	vld.idx.msk [tilespmem:v6+s3+$0x0], $0xffff;
	_ =	sdelay $0x1  }
0x43: {  	v63 =	vld.idx.msk [tilespmem:v5+s3+$0x0], $0xffff;
	_ =	sdelay $0x2  }
0x44: {  	v3 =	vmul.u32 $0x41, v3;
	_ =	sdelay $0x1  }
0x45: {  	s17 =	sadd.s32 $0x10, s31;
	v3 =	vadd.s32 v63, v3  }
0x46: {  	[tilespmem:s17+$0x0] =	vst v3  }
0x47: {  	[tilespmem:s14], [sflag:$0x1] =	stream.indirect.gather [hbm4b:s4+s11], $0x40, s13, s11, $0xb8;
	[tilespmem:$0x1A240] =	vst v63  }
0x48: {  	_ =	swait.ge [sflag:s15], $0x18000  }
0x49: {  	[sflag:s15] =	ssyncset.done $0x0  }
0x4a: {  	[sflag:s15] =	ssyncadd.s32 $0xFFFE8000  }
0x4b: {  	[hbm4b:s8+s3] =	stream.linear.scatter [tilespmem:s14], [sflag:$0x2], $0x18000, $0x38;
	[tilespmem:$0x1A240] =	vst v63  }
0x4c: {  	_ =	swait.ge [sflag:s12], $0x18000  }
0x4d: {  	s19 =	simm.s32 @!p0 $0x2;
	[sflag:s12] =	ssyncset.done $0x0  }
0x4e: {  	s18 =	simm.s32 @!p0 $0x19200;
	s17 =	simm.s32 @!p0 $0x0;
	[sflag:s12] =	ssyncadd.s32 $0xFFFE8000  }
0x4f: {  	[tilespmem:s18], [sflag:$0x2] =	stream.linear.gather @!p0 [hbm4b:s2+s17], $0x40, $0x38;
	[tilespmem:$0x1A240] =	vst v63  }
0x50: {  	_ =	swait.ge @!p0 [sflag:s19], $0x40  }
0x51: {  	[sflag:s19] =	ssyncset.done @!p0 $0x0  }
0x52: {  	s20 =	simm.s32 @!p0 $0x40;
	s21 =	simm.s32 @!p0 $0x19240;
	[sflag:s19] =	ssyncadd.s32 @!p0 $0xFFFFFFC0  }
0x53: {  	[tilespmem:s21], [sflag:$0x1] =	stream.indirect.gather @!p0 [hbm4b:s5+s20], $0x40, s18, s20, $0xb8;
	[tilespmem:$0x1A240] =	vst v63  }
0x54: {  	s18 =	simm.s32 @!p0 $0x1  }
0x55: {  	s16 =	sadd.s32 $0x1, s16;
	_ =	swait.ge @!p0 [sflag:s18], $0x1000  }
0x56: {  	p1 =	sne.s32 s16, s9;
	[sflag:s18] =	ssyncset.done @!p0 $0x0  }
.Ltmp1:
0x57: {  	[sflag:s18] =	ssyncadd.s32 @!p0 $0xFFFFF000;
	(pc) =	sbr.rel @p1 .LBB2_1-.Ltmp1, $4  }
0x58: {  	[hbm4b:s6+s17] =	stream.linear.scatter @!p0 [tilespmem:s21], [sflag:$0x2], $0x1000, $0x38;
	[tilespmem:$0x1A240] =	vst v63  }
0x59: {  	_ =	swait.ge @!p0 [sflag:s19], $0x1000  }
0x5a: {  	[sflag:s19] =	ssyncset.done @!p0 $0x0  }
0x5b: {  	[sflag:s19] =	ssyncadd.s32 @!p0 $0xFFFFF000  }
0x5c: {  	_ =	sfence.sel $0x180000  }
0x5d: {  	[bflag:$0x0] =	sbarrier.arrive $0xFFFF  }
0x5e: {  	p0 =	sne.s32 s0, $0x0;
	_ =	strace $0x90000047  }
0x5f: {  	s0 =	sadd.s32 @!p0 $0x100000, s1;
	[bflag:$0x2] =	sbarrier.arrive $0xFFFF  }
0x60: {  	[sflag:s0] =	ssyncadd.tile.s32 @!p0 $0x1;
	_ =	shalt  }
.Lfunc_end2:
_tile_overlayer_lowered:
.L_overlay_start_2:
0x61: {  	(tag) =	ssettag $0x2  }
0x62: {  	s0 =	rddreg [dreg:$0x0];
	s2 =	stileid.u32  }
0x63: {  	s1 =	rddreg [dreg:$0x1];
	p0 =	sne.s32 s2, $0x0  }
0x64: {  	s3 =	rddreg [dreg:$0x2];
	[bflag:$0x3] =	sbarrier.arrive $0xFFFF;
	s2 =	simm.s32 @!p0 $0x1C02  }
0x65: {  	[timem:s3], [sflag:s2] =	dma.local @!p0 [hbm:s0], s1  }
0x66: {  	s0 =	simm.s32 @!p0 $0x2  }
0x67: {  	_ =	swait.ge @!p0 [sflag:s0], s1  }
0x68: {  	s1 =	ssub.s32 @!p0 $0x0, s1;
	[sflag:s0] =	ssyncset.done @!p0 $0x0  }
0x69: {  	[sflag:s0] =	ssyncadd.s32 @!p0 s1  }
0x6a: {  	[bflag:$0x3] =	sbarrier.arrive $0xFFFF  }
0x6b: {  	_ =	shalt  }

</sc_bundles>
